<compile_context>
chip_gen: v7x
topology: tpu7x:2x2x1
jax: 0.10.2.dev20260603
libtpu: 0.0.44.dev20260713+nightly
codegen_flags: <defaults>
</compile_context>

<pallas_src>
import functools

import jax
import jax.numpy as jnp
from jax import lax
from jax.experimental import pallas as pl
from jax.experimental.pallas import tpu as pltpu
from jax.experimental.pallas import tpu_sc as plsc

N = 10000
E = 320000
D = 128

NC = 2
NS = 16
NW = NC * NS

E_PER_W = E // NW
CHUNK = 80
NCHUNK = E_PER_W // CHUNK
NPAD = 10240
RPT = NPAD // NS
ZROWS = 128
NZB = RPT // ZROWS


def _sc_aggregate(xb, src3, dst3, zrows_c, zcnt_c, ones_c):
  mesh = plsc.VectorSubcoreMesh(core_axis_name="c", subcore_axis_name="s")

  @functools.partial(
      pl.kernel,
      out_type=(
          jax.ShapeDtypeStruct((NC, NPAD, D), jnp.bfloat16),
          jax.ShapeDtypeStruct((NC, NPAD), jnp.float32),
      ),
      mesh=mesh,
      compiler_params=pltpu.CompilerParams(use_tc_tiling_on_sc=False),
      scratch_types=[
          pltpu.VMEM((NCHUNK, CHUNK), jnp.int32),
          pltpu.VMEM((NCHUNK, CHUNK), jnp.int32),
          [pltpu.VMEM((CHUNK, D), jnp.bfloat16) for _ in range(4)],
          pltpu.VMEM((CHUNK,), jnp.float32),
          pltpu.VMEM((ZROWS, D), jnp.bfloat16),
          pltpu.VMEM((ZROWS, D), jnp.bfloat16),
          pltpu.VMEM((RPT,), jnp.float32),
          pltpu.VMEM_SHARED((NPAD, D), jnp.bfloat16),
          pltpu.VMEM_SHARED((NPAD,), jnp.float32),
          [pltpu.SemaphoreType.DMA for _ in range(4)],
          [pltpu.SemaphoreType.DMA for _ in range(4)],
          [pltpu.SemaphoreType.DMA for _ in range(4)],
          pltpu.SemaphoreType.DMA,
          pltpu.SemaphoreType.DMA,
      ],
  )
  def sc_kernel(x_hbm, src_hbm, dst_hbm, zr_hbm, zc_hbm, on_hbm,
                agg_out, cnt_out,
                srcl, dstl, rows, ones, zb0, zb1, czbuf,
                agg_sh, cnt_sh,
                semg, semsa, semsc, semo0, semo1):
    c = lax.axis_index("c")
    s = lax.axis_index("s")
    wid = s * NC + c

    pltpu.async_copy(zr_hbm, zb0, semo0)
    pltpu.async_copy(zc_hbm, czbuf, semo1)
    pltpu.sync_copy(on_hbm, ones)
    pltpu.make_async_copy(zr_hbm, zb0, semo0).wait()
    pltpu.make_async_copy(zc_hbm, czbuf, semo1).wait()

    base = s * RPT
    for k in range(NZB):
      pltpu.sync_copy(zb0, agg_sh.at[pl.ds(base + k * ZROWS, ZROWS)])
    pltpu.sync_copy(czbuf, cnt_sh.at[pl.ds(base, RPT)])

    pltpu.sync_copy(src_hbm.at[wid], srcl)
    pltpu.sync_copy(dst_hbm.at[wid], dstl)
    plsc.subcore_barrier()

    pltpu.async_copy(x_hbm.at[srcl.at[0]], rows[0], semg[0])
    pltpu.async_copy(x_hbm.at[srcl.at[1]], rows[1], semg[1])

    def step(i, b):
      bg = (b + 2) % 4
      pltpu.make_async_copy(x_hbm.at[srcl.at[i]], rows[b], semg[b]).wait()
      pltpu.async_copy(rows[b], agg_sh.at[dstl.at[i]], semsa[b], add=True)
      pltpu.async_copy(ones, cnt_sh.at[dstl.at[i]], semsc[b], add=True)
      @pl.when(i >= 2)
      def _():
        prv = jnp.maximum(i - 2, 0)
        pltpu.make_async_copy(
            rows[bg], agg_sh.at[dstl.at[prv]], semsa[bg]).wait()
        pltpu.make_async_copy(
            ones, cnt_sh.at[dstl.at[prv]], semsc[bg]).wait()
      nxt = jnp.minimum(i + 2, NCHUNK - 1)
      pltpu.async_copy(x_hbm.at[srcl.at[nxt]], rows[bg], semg[bg])

    def chunk_body(i, _):
      for b in range(4):
        @pl.when(i % 4 == b)
        def _():
          step(i, b)
      return 0
    lax.fori_loop(0, NCHUNK, chunk_body, 0)
    for i in (NCHUNK, NCHUNK + 1):
      pltpu.make_async_copy(
          x_hbm.at[srcl.at[0]], rows[i % 4], semg[i % 4]).wait()
    for i in (NCHUNK - 2, NCHUNK - 1):
      pltpu.make_async_copy(
          rows[i % 4], agg_sh.at[dstl.at[0]], semsa[i % 4]).wait()
      pltpu.make_async_copy(
          ones, cnt_sh.at[dstl.at[0]], semsc[i % 4]).wait()
    plsc.subcore_barrier()

    def oslice(k):
      return pl.ds(base + k * ZROWS, ZROWS)
    zbufs = [zb0, zb1]
    osems = [semo0, semo1]
    for k in range(NZB):
      b = k % 2
      if k >= 2:
        pltpu.make_async_copy(
            zbufs[b], agg_out.at[c, oslice(k - 2)], osems[b]).wait()
      pltpu.sync_copy(agg_sh.at[oslice(k)], zbufs[b])
      pltpu.async_copy(zbufs[b], agg_out.at[c, oslice(k)], osems[b])
    pltpu.sync_copy(cnt_sh.at[pl.ds(base, RPT)], czbuf)
    pltpu.sync_copy(czbuf, cnt_out.at[c, pl.ds(base, RPT)])
    for k in range(max(0, NZB - 2), NZB):
      b = k % 2
      pltpu.make_async_copy(
          zbufs[b], agg_out.at[c, oslice(k)], osems[b]).wait()

  return sc_kernel(xb, src3, dst3, zrows_c, zcnt_c, ones_c)


def _tc_finish_body(agg_ref, cnt_ref, x_ref, wl_ref, bl_ref, wr_ref,
                    g_ref, b_ref, out_ref):
  agg = (agg_ref[0, :N].astype(jnp.float32)
         + agg_ref[1, :N].astype(jnp.float32))
  cnt = cnt_ref[0, :N] + cnt_ref[1, :N]
  mean = agg / jnp.clip(cnt, 1.0, None)[:, None]
  h = (jnp.dot(mean, wl_ref[...].T, preferred_element_type=jnp.float32)
       + bl_ref[...][None, :]
       + jnp.dot(x_ref[...], wr_ref[...].T, preferred_element_type=jnp.float32))
  h = jnp.maximum(h, 0.0)
  mu = jnp.mean(h, axis=0)
  var = jnp.mean((h - mu[None, :]) ** 2, axis=0)
  out_ref[...] = ((h - mu[None, :]) * lax.rsqrt(var + 1e-5)
                  * g_ref[...][None, :] + b_ref[...][None, :])


def kernel(x, edge_index, W_l, b_l, W_r, gamma, beta):
  xb = x.astype(jnp.bfloat16)
  src3 = edge_index[0].reshape(NW, NCHUNK, CHUNK)
  dst3 = edge_index[1].reshape(NW, NCHUNK, CHUNK)
  zrows_c = jnp.zeros((ZROWS, D), jnp.bfloat16)
  zcnt_c = jnp.zeros((RPT,), jnp.float32)
  ones_c = jnp.ones((CHUNK,), jnp.float32)
  agg_p, cnt_p = _sc_aggregate(xb, src3, dst3, zrows_c, zcnt_c, ones_c)
  return pl.pallas_call(
      _tc_finish_body,
      out_shape=jax.ShapeDtypeStruct((N, D), jnp.float32),
  )(agg_p, cnt_p, x, W_l, b_l, W_r, gamma, beta)

# --- scband reference (transcript-rebuilt; emitter-appended) ---
"""Pipeline reference for scband-chem-sage-block-89206470738295 (READ-ONLY COPY).

The authoritative reference and input builder live on the scoring server;
editing this copy changes nothing except your own understanding.
"""

import jax, jax.numpy as jnp
import numpy as np

N = 10000
E = 320000
D = 128

def setup_inputs(seed: int = 0) -> dict:
    key = jax.random.key(seed)
    k1, k2, k3, k4 = jax.random.split(key, 4)
    x = jax.random.normal(k1, (N, D), dtype=jnp.float32)
    edge_index = jax.random.randint(k2, (2, E), 0, N, dtype=jnp.int32)
    # SAGEConv params: lin_l (applied to aggregated neighbors, with bias), lin_r (applied to root, no bias)
    W_l = jax.random.normal(k3, (D, D), dtype=jnp.float32) * 0.05
    b_l = jnp.zeros((D,), dtype=jnp.float32)
    W_r = jax.random.normal(k4, (D, D), dtype=jnp.float32) * 0.05
    # BatchNorm params
    gamma = jnp.ones((D,), dtype=jnp.float32)
    beta = jnp.zeros((D,), dtype=jnp.float32)
    return {"x": x, "edge_index": edge_index, "W_l": W_l, "b_l": b_l, "W_r": W_r, "gamma": gamma, "beta": beta}


def reference(x, edge_index, W_l, b_l, W_r, gamma, beta):
    src = edge_index[0]
    dst = edge_index[1]
    # SAGEConv with default mean aggregation: gather source features, scatter-mean to destination
    msgs = jnp.take(x, src, axis=0)
    agg = jax.ops.segment_sum(msgs, dst, num_segments=N)
    cnt = jax.ops.segment_sum(jnp.ones((E,), dtype=x.dtype), dst, num_segments=N)
    mean_agg = agg / jnp.clip(cnt, 1.0, None)[:, None]
    out = mean_agg @ W_l.T + b_l + x @ W_r.T
    # ReLU
    out = jax.nn.relu(out)
    # F.dropout: identity in deterministic/eval reference
    # BatchNorm over node dimension (training-mode batch statistics)
    mu = jnp.mean(out, axis=0)
    var = jnp.var(out, axis=0)
    out = (out - mu) / jnp.sqrt(var + 1e-5) * gamma + beta
    return out

if __name__ == "__main__":
    import jax
    _d = setup_inputs()
    print(jax.jit(kernel)(*tuple(_d.values())))

</pallas_src>

<mosaic_0001>
#map = affine_map<(d0, d1) -> (0, 0)>
#map1 = affine_map<(d0, d1) -> (0, 0, 0)>
#map2 = affine_map<(d0, d1) -> (0)>
module attributes {stable_mosaic.version = 14 : i64} {
  func.func @sc_kernel(%arg0: i32, %arg1: i32, %arg2: memref<10000x128xbf16, #tpu.memory_space<hbm>>, %arg3: memref<32x125x80xi32, #tpu.memory_space<hbm>>, %arg4: memref<32x125x80xi32, #tpu.memory_space<hbm>>, %arg5: memref<128x128xbf16, #tpu.memory_space<hbm>>, %arg6: memref<640xf32, #tpu.memory_space<hbm>>, %arg7: memref<80xf32, #tpu.memory_space<hbm>>, %arg8: memref<2x10240x128xbf16, #tpu.memory_space<hbm>>, %arg9: memref<2x10240xf32, #tpu.memory_space<hbm>>, %arg10: memref<125x80xi32, #tpu.memory_space<vmem>>, %arg11: memref<125x80xi32, #tpu.memory_space<vmem>>, %arg12: memref<80x128xbf16, #tpu.memory_space<vmem>>, %arg13: memref<80x128xbf16, #tpu.memory_space<vmem>>, %arg14: memref<80x128xbf16, #tpu.memory_space<vmem>>, %arg15: memref<80x128xbf16, #tpu.memory_space<vmem>>, %arg16: memref<80xf32, #tpu.memory_space<vmem>>, %arg17: memref<128x128xbf16, #tpu.memory_space<vmem>>, %arg18: memref<128x128xbf16, #tpu.memory_space<vmem>>, %arg19: memref<640xf32, #tpu.memory_space<vmem>>, %arg20: memref<10240x128xbf16, #tpu.memory_space<vmem_shared>>, %arg21: memref<10240xf32, #tpu.memory_space<vmem_shared>>, %arg22: memref<!tpu.dma_semaphore, #tpu.memory_space<semaphore_mem>>, %arg23: memref<!tpu.dma_semaphore, #tpu.memory_space<semaphore_mem>>, %arg24: memref<!tpu.dma_semaphore, #tpu.memory_space<semaphore_mem>>, %arg25: memref<!tpu.dma_semaphore, #tpu.memory_space<semaphore_mem>>, %arg26: memref<!tpu.dma_semaphore, #tpu.memory_space<semaphore_mem>>, %arg27: memref<!tpu.dma_semaphore, #tpu.memory_space<semaphore_mem>>, %arg28: memref<!tpu.dma_semaphore, #tpu.memory_space<semaphore_mem>>, %arg29: memref<!tpu.dma_semaphore, #tpu.memory_space<semaphore_mem>>, %arg30: memref<!tpu.dma_semaphore, #tpu.memory_space<semaphore_mem>>, %arg31: memref<!tpu.dma_semaphore, #tpu.memory_space<semaphore_mem>>, %arg32: memref<!tpu.dma_semaphore, #tpu.memory_space<semaphore_mem>>, %arg33: memref<!tpu.dma_semaphore, #tpu.memory_space<semaphore_mem>>, %arg34: memref<!tpu.dma_semaphore, #tpu.memory_space<semaphore_mem>>, %arg35: memref<!tpu.dma_semaphore, #tpu.memory_space<semaphore_mem>>) attributes {dimension_semantics = [#tpu.dimension_semantics<core_parallel>, #tpu.dimension_semantics<subcore_parallel>], iteration_bounds = array<i64: 2, 16>, scalar_prefetch = 0 : i64, scratch_operands = 26 : i64, tpu.core_type = #tpu.core_type<sc_vector_subcore>, window_params = [{transform_indices = #map}, {transform_indices = #map1}, {transform_indices = #map1}, {transform_indices = #map}, {transform_indices = #map2}, {transform_indices = #map2}, {transform_indices = #map1}, {transform_indices = #map}]} {
    %mul3A = arith.constant 2 : i32
    %mul3A_0 = arith.muli %arg1, %mul3A : i32
    %add3A = arith.addi %mul3A_0, %arg0 : i32
    tpu.enqueue_dma source(%arg5 : memref<128x128xbf16, #tpu.memory_space<hbm>>) target(%arg17 : memref<128x128xbf16, #tpu.memory_space<vmem>>) target_semaphore(%arg34 : memref<!tpu.dma_semaphore, #tpu.memory_space<semaphore_mem>>)
    tpu.enqueue_dma source(%arg6 : memref<640xf32, #tpu.memory_space<hbm>>) target(%arg19 : memref<640xf32, #tpu.memory_space<vmem>>) target_semaphore(%arg35 : memref<!tpu.dma_semaphore, #tpu.memory_space<semaphore_mem>>)
    "tpu.region"() ({
      %run_scoped3A = tpu.sem_alloc : memref<!tpu.dma_semaphore, #tpu.memory_space<semaphore_mem>>
      tpu.enqueue_dma source(%arg7 : memref<80xf32, #tpu.memory_space<hbm>>) target(%arg16 : memref<80xf32, #tpu.memory_space<vmem>>) target_semaphore(%run_scoped3A : memref<!tpu.dma_semaphore, #tpu.memory_space<semaphore_mem>>)
      tpu.wait_dma2 semaphore(%run_scoped3A : memref<!tpu.dma_semaphore, #tpu.memory_space<semaphore_mem>>) src(%arg7 : memref<80xf32, #tpu.memory_space<hbm>>) dst(%arg16 : memref<80xf32, #tpu.memory_space<vmem>>)
      tpu.yield
    }) : () -> ()
    tpu.wait_dma2 semaphore(%arg34 : memref<!tpu.dma_semaphore, #tpu.memory_space<semaphore_mem>>) src(%arg5 : memref<128x128xbf16, #tpu.memory_space<hbm>>) dst(%arg17 : memref<128x128xbf16, #tpu.memory_space<vmem>>)
    tpu.wait_dma2 semaphore(%arg35 : memref<!tpu.dma_semaphore, #tpu.memory_space<semaphore_mem>>) src(%arg6 : memref<640xf32, #tpu.memory_space<hbm>>) dst(%arg19 : memref<640xf32, #tpu.memory_space<vmem>>)
    %mul3A_1 = arith.constant 640 : i32
    %mul3A_2 = arith.muli %arg1, %mul3A_1 : i32
    %add3A_3 = arith.constant 0 : i32
    %add3A_4 = arith.addi %mul3A_2, %add3A_3 : i32
    "tpu.region"() ({
      %run_scoped3A = tpu.sem_alloc : memref<!tpu.dma_semaphore, #tpu.memory_space<semaphore_mem>>
      %dma_start3A_162 = arith.constant 0 : i32
      %dma_start3A_163 = tpu.memref_slice %arg20[%add3A_4, %dma_start3A_162] : memref<10240x128xbf16, #tpu.memory_space<vmem_shared>> -> memref<128x128xbf16, #tpu.memory_space<vmem_shared>>
      %dma_start3A_164 = arith.constant 0 : i32
      %dma_start3A_165 = tpu.memref_slice %arg20[%add3A_4, %dma_start3A_164] : memref<10240x128xbf16, #tpu.memory_space<vmem_shared>> -> memref<128x128xbf16, #tpu.memory_space<vmem_shared>>
      tpu.enqueue_dma source(%arg17 : memref<128x128xbf16, #tpu.memory_space<vmem>>) target(%dma_start3A_165 : memref<128x128xbf16, #tpu.memory_space<vmem_shared>>) target_semaphore(%run_scoped3A : memref<!tpu.dma_semaphore, #tpu.memory_space<semaphore_mem>>)
      %dma_wait3A_166 = arith.constant 0 : i32
      %dma_wait3A_167 = tpu.memref_slice %arg20[%add3A_4, %dma_wait3A_166] : memref<10240x128xbf16, #tpu.memory_space<vmem_shared>> -> memref<128x128xbf16, #tpu.memory_space<vmem_shared>>
      %dma_wait3A_168 = arith.constant 0 : i32
      %dma_wait3A_169 = tpu.memref_slice %arg20[%add3A_4, %dma_wait3A_168] : memref<10240x128xbf16, #tpu.memory_space<vmem_shared>> -> memref<128x128xbf16, #tpu.memory_space<vmem_shared>>
      tpu.wait_dma2 semaphore(%run_scoped3A : memref<!tpu.dma_semaphore, #tpu.memory_space<semaphore_mem>>) src(%arg17 : memref<128x128xbf16, #tpu.memory_space<vmem>>) dst(%dma_wait3A_169 : memref<128x128xbf16, #tpu.memory_space<vmem_shared>>)
      tpu.yield
    }) : () -> ()
    %add3A_5 = arith.constant 128 : i32
    %add3A_6 = arith.addi %mul3A_2, %add3A_5 : i32
    "tpu.region"() ({
      %run_scoped3A = tpu.sem_alloc : memref<!tpu.dma_semaphore, #tpu.memory_space<semaphore_mem>>
      %dma_start3A_162 = arith.constant 0 : i32
      %dma_start3A_163 = tpu.memref_slice %arg20[%add3A_6, %dma_start3A_162] : memref<10240x128xbf16, #tpu.memory_space<vmem_shared>> -> memref<128x128xbf16, #tpu.memory_space<vmem_shared>>
      %dma_start3A_164 = arith.constant 0 : i32
      %dma_start3A_165 = tpu.memref_slice %arg20[%add3A_6, %dma_start3A_164] : memref<10240x128xbf16, #tpu.memory_space<vmem_shared>> -> memref<128x128xbf16, #tpu.memory_space<vmem_shared>>
      tpu.enqueue_dma source(%arg17 : memref<128x128xbf16, #tpu.memory_space<vmem>>) target(%dma_start3A_165 : memref<128x128xbf16, #tpu.memory_space<vmem_shared>>) target_semaphore(%run_scoped3A : memref<!tpu.dma_semaphore, #tpu.memory_space<semaphore_mem>>)
      %dma_wait3A_166 = arith.constant 0 : i32
      %dma_wait3A_167 = tpu.memref_slice %arg20[%add3A_6, %dma_wait3A_166] : memref<10240x128xbf16, #tpu.memory_space<vmem_shared>> -> memref<128x128xbf16, #tpu.memory_space<vmem_shared>>
      %dma_wait3A_168 = arith.constant 0 : i32
      %dma_wait3A_169 = tpu.memref_slice %arg20[%add3A_6, %dma_wait3A_168] : memref<10240x128xbf16, #tpu.memory_space<vmem_shared>> -> memref<128x128xbf16, #tpu.memory_space<vmem_shared>>
      tpu.wait_dma2 semaphore(%run_scoped3A : memref<!tpu.dma_semaphore, #tpu.memory_space<semaphore_mem>>) src(%arg17 : memref<128x128xbf16, #tpu.memory_space<vmem>>) dst(%dma_wait3A_169 : memref<128x128xbf16, #tpu.memory_space<vmem_shared>>)
      tpu.yield
    }) : () -> ()
    %add3A_7 = arith.constant 256 : i32
    %add3A_8 = arith.addi %mul3A_2, %add3A_7 : i32
    "tpu.region"() ({
      %run_scoped3A = tpu.sem_alloc : memref<!tpu.dma_semaphore, #tpu.memory_space<semaphore_mem>>
      %dma_start3A_162 = arith.constant 0 : i32
      %dma_start3A_163 = tpu.memref_slice %arg20[%add3A_8, %dma_start3A_162] : memref<10240x128xbf16, #tpu.memory_space<vmem_shared>> -> memref<128x128xbf16, #tpu.memory_space<vmem_shared>>
      %dma_start3A_164 = arith.constant 0 : i32
      %dma_start3A_165 = tpu.memref_slice %arg20[%add3A_8, %dma_start3A_164] : memref<10240x128xbf16, #tpu.memory_space<vmem_shared>> -> memref<128x128xbf16, #tpu.memory_space<vmem_shared>>
      tpu.enqueue_dma source(%arg17 : memref<128x128xbf16, #tpu.memory_space<vmem>>) target(%dma_start3A_165 : memref<128x128xbf16, #tpu.memory_space<vmem_shared>>) target_semaphore(%run_scoped3A : memref<!tpu.dma_semaphore, #tpu.memory_space<semaphore_mem>>)
      %dma_wait3A_166 = arith.constant 0 : i32
      %dma_wait3A_167 = tpu.memref_slice %arg20[%add3A_8, %dma_wait3A_166] : memref<10240x128xbf16, #tpu.memory_space<vmem_shared>> -> memref<128x128xbf16, #tpu.memory_space<vmem_shared>>
      %dma_wait3A_168 = arith.constant 0 : i32
      %dma_wait3A_169 = tpu.memref_slice %arg20[%add3A_8, %dma_wait3A_168] : memref<10240x128xbf16, #tpu.memory_space<vmem_shared>> -> memref<128x128xbf16, #tpu.memory_space<vmem_shared>>
      tpu.wait_dma2 semaphore(%run_scoped3A : memref<!tpu.dma_semaphore, #tpu.memory_space<semaphore_mem>>) src(%arg17 : memref<128x128xbf16, #tpu.memory_space<vmem>>) dst(%dma_wait3A_169 : memref<128x128xbf16, #tpu.memory_space<vmem_shared>>)
      tpu.yield
    }) : () -> ()
    %add3A_9 = arith.constant 384 : i32
    %add3A_10 = arith.addi %mul3A_2, %add3A_9 : i32
    "tpu.region"() ({
      %run_scoped3A = tpu.sem_alloc : memref<!tpu.dma_semaphore, #tpu.memory_space<semaphore_mem>>
      %dma_start3A_162 = arith.constant 0 : i32
      %dma_start3A_163 = tpu.memref_slice %arg20[%add3A_10, %dma_start3A_162] : memref<10240x128xbf16, #tpu.memory_space<vmem_shared>> -> memref<128x128xbf16, #tpu.memory_space<vmem_shared>>
      %dma_start3A_164 = arith.constant 0 : i32
      %dma_start3A_165 = tpu.memref_slice %arg20[%add3A_10, %dma_start3A_164] : memref<10240x128xbf16, #tpu.memory_space<vmem_shared>> -> memref<128x128xbf16, #tpu.memory_space<vmem_shared>>
      tpu.enqueue_dma source(%arg17 : memref<128x128xbf16, #tpu.memory_space<vmem>>) target(%dma_start3A_165 : memref<128x128xbf16, #tpu.memory_space<vmem_shared>>) target_semaphore(%run_scoped3A : memref<!tpu.dma_semaphore, #tpu.memory_space<semaphore_mem>>)
      %dma_wait3A_166 = arith.constant 0 : i32
      %dma_wait3A_167 = tpu.memref_slice %arg20[%add3A_10, %dma_wait3A_166] : memref<10240x128xbf16, #tpu.memory_space<vmem_shared>> -> memref<128x128xbf16, #tpu.memory_space<vmem_shared>>
      %dma_wait3A_168 = arith.constant 0 : i32
      %dma_wait3A_169 = tpu.memref_slice %arg20[%add3A_10, %dma_wait3A_168] : memref<10240x128xbf16, #tpu.memory_space<vmem_shared>> -> memref<128x128xbf16, #tpu.memory_space<vmem_shared>>
      tpu.wait_dma2 semaphore(%run_scoped3A : memref<!tpu.dma_semaphore, #tpu.memory_space<semaphore_mem>>) src(%arg17 : memref<128x128xbf16, #tpu.memory_space<vmem>>) dst(%dma_wait3A_169 : memref<128x128xbf16, #tpu.memory_space<vmem_shared>>)
      tpu.yield
    }) : () -> ()
    %add3A_11 = arith.constant 512 : i32
    %add3A_12 = arith.addi %mul3A_2, %add3A_11 : i32
    "tpu.region"() ({
      %run_scoped3A = tpu.sem_alloc : memref<!tpu.dma_semaphore, #tpu.memory_space<semaphore_mem>>
      %dma_start3A_162 = arith.constant 0 : i32
      %dma_start3A_163 = tpu.memref_slice %arg20[%add3A_12, %dma_start3A_162] : memref<10240x128xbf16, #tpu.memory_space<vmem_shared>> -> memref<128x128xbf16, #tpu.memory_space<vmem_shared>>
      %dma_start3A_164 = arith.constant 0 : i32
      %dma_start3A_165 = tpu.memref_slice %arg20[%add3A_12, %dma_start3A_164] : memref<10240x128xbf16, #tpu.memory_space<vmem_shared>> -> memref<128x128xbf16, #tpu.memory_space<vmem_shared>>
      tpu.enqueue_dma source(%arg17 : memref<128x128xbf16, #tpu.memory_space<vmem>>) target(%dma_start3A_165 : memref<128x128xbf16, #tpu.memory_space<vmem_shared>>) target_semaphore(%run_scoped3A : memref<!tpu.dma_semaphore, #tpu.memory_space<semaphore_mem>>)
      %dma_wait3A_166 = arith.constant 0 : i32
      %dma_wait3A_167 = tpu.memref_slice %arg20[%add3A_12, %dma_wait3A_166] : memref<10240x128xbf16, #tpu.memory_space<vmem_shared>> -> memref<128x128xbf16, #tpu.memory_space<vmem_shared>>
      %dma_wait3A_168 = arith.constant 0 : i32
      %dma_wait3A_169 = tpu.memref_slice %arg20[%add3A_12, %dma_wait3A_168] : memref<10240x128xbf16, #tpu.memory_space<vmem_shared>> -> memref<128x128xbf16, #tpu.memory_space<vmem_shared>>
      tpu.wait_dma2 semaphore(%run_scoped3A : memref<!tpu.dma_semaphore, #tpu.memory_space<semaphore_mem>>) src(%arg17 : memref<128x128xbf16, #tpu.memory_space<vmem>>) dst(%dma_wait3A_169 : memref<128x128xbf16, #tpu.memory_space<vmem_shared>>)
      tpu.yield
    }) : () -> ()
    "tpu.region"() ({
      %run_scoped3A = tpu.sem_alloc : memref<!tpu.dma_semaphore, #tpu.memory_space<semaphore_mem>>
      %dma_start3A_162 = tpu.memref_slice %arg21[%mul3A_2] : memref<10240xf32, #tpu.memory_space<vmem_shared>> -> memref<640xf32, #tpu.memory_space<vmem_shared>>
      %dma_start3A_163 = tpu.memref_slice %arg21[%mul3A_2] : memref<10240xf32, #tpu.memory_space<vmem_shared>> -> memref<640xf32, #tpu.memory_space<vmem_shared>>
      tpu.enqueue_dma source(%arg19 : memref<640xf32, #tpu.memory_space<vmem>>) target(%dma_start3A_163 : memref<640xf32, #tpu.memory_space<vmem_shared>>) target_semaphore(%run_scoped3A : memref<!tpu.dma_semaphore, #tpu.memory_space<semaphore_mem>>)
      %dma_wait3A_164 = tpu.memref_slice %arg21[%mul3A_2] : memref<10240xf32, #tpu.memory_space<vmem_shared>> -> memref<640xf32, #tpu.memory_space<vmem_shared>>
      %dma_wait3A_165 = tpu.memref_slice %arg21[%mul3A_2] : memref<10240xf32, #tpu.memory_space<vmem_shared>> -> memref<640xf32, #tpu.memory_space<vmem_shared>>
      tpu.wait_dma2 semaphore(%run_scoped3A : memref<!tpu.dma_semaphore, #tpu.memory_space<semaphore_mem>>) src(%arg19 : memref<640xf32, #tpu.memory_space<vmem>>) dst(%dma_wait3A_165 : memref<640xf32, #tpu.memory_space<vmem_shared>>)
      tpu.yield
    }) : () -> ()
    "tpu.region"() ({
      %run_scoped3A = tpu.sem_alloc : memref<!tpu.dma_semaphore, #tpu.memory_space<semaphore_mem>>
      %dma_start3A_162 = arith.constant 0 : i32
      %dma_start3A_163 = arith.constant 0 : i32
      %dma_start3A_164 = tpu.memref_slice %arg3[%add3A, %dma_start3A_162, %dma_start3A_163] : memref<32x125x80xi32, #tpu.memory_space<hbm>> -> memref<1x125x80xi32, #tpu.memory_space<hbm>>
      %dma_start3A_165 = tpu.memref_squeeze %dma_start3A_164 : memref<1x125x80xi32, #tpu.memory_space<hbm>> -> memref<125x80xi32, #tpu.memory_space<hbm>>
      %dma_start3A_166 = arith.constant 0 : i32
      %dma_start3A_167 = arith.constant 0 : i32
      %dma_start3A_168 = tpu.memref_slice %arg3[%add3A, %dma_start3A_166, %dma_start3A_167] : memref<32x125x80xi32, #tpu.memory_space<hbm>> -> memref<1x125x80xi32, #tpu.memory_space<hbm>>
      %dma_start3A_169 = tpu.memref_squeeze %dma_start3A_168 : memref<1x125x80xi32, #tpu.memory_space<hbm>> -> memref<125x80xi32, #tpu.memory_space<hbm>>
      tpu.enqueue_dma source(%dma_start3A_169 : memref<125x80xi32, #tpu.memory_space<hbm>>) target(%arg10 : memref<125x80xi32, #tpu.memory_space<vmem>>) target_semaphore(%run_scoped3A : memref<!tpu.dma_semaphore, #tpu.memory_space<semaphore_mem>>)
      %dma_wait3A_170 = arith.constant 0 : i32
      %dma_wait3A_171 = arith.constant 0 : i32
      %dma_wait3A_172 = tpu.memref_slice %arg3[%add3A, %dma_wait3A_170, %dma_wait3A_171] : memref<32x125x80xi32, #tpu.memory_space<hbm>> -> memref<1x125x80xi32, #tpu.memory_space<hbm>>
      %dma_wait3A_173 = tpu.memref_squeeze %dma_wait3A_172 : memref<1x125x80xi32, #tpu.memory_space<hbm>> -> memref<125x80xi32, #tpu.memory_space<hbm>>
      %dma_wait3A_174 = arith.constant 0 : i32
      %dma_wait3A_175 = arith.constant 0 : i32
      %dma_wait3A_176 = tpu.memref_slice %arg3[%add3A, %dma_wait3A_174, %dma_wait3A_175] : memref<32x125x80xi32, #tpu.memory_space<hbm>> -> memref<1x125x80xi32, #tpu.memory_space<hbm>>
      %dma_wait3A_177 = tpu.memref_squeeze %dma_wait3A_176 : memref<1x125x80xi32, #tpu.memory_space<hbm>> -> memref<125x80xi32, #tpu.memory_space<hbm>>
      tpu.wait_dma2 semaphore(%run_scoped3A : memref<!tpu.dma_semaphore, #tpu.memory_space<semaphore_mem>>) src(%dma_wait3A_177 : memref<125x80xi32, #tpu.memory_space<hbm>>) dst(%arg10 : memref<125x80xi32, #tpu.memory_space<vmem>>)
      tpu.yield
    }) : () -> ()
    "tpu.region"() ({
      %run_scoped3A = tpu.sem_alloc : memref<!tpu.dma_semaphore, #tpu.memory_space<semaphore_mem>>
      %dma_start3A_162 = arith.constant 0 : i32
      %dma_start3A_163 = arith.constant 0 : i32
      %dma_start3A_164 = tpu.memref_slice %arg4[%add3A, %dma_start3A_162, %dma_start3A_163] : memref<32x125x80xi32, #tpu.memory_space<hbm>> -> memref<1x125x80xi32, #tpu.memory_space<hbm>>
      %dma_start3A_165 = tpu.memref_squeeze %dma_start3A_164 : memref<1x125x80xi32, #tpu.memory_space<hbm>> -> memref<125x80xi32, #tpu.memory_space<hbm>>
      %dma_start3A_166 = arith.constant 0 : i32
      %dma_start3A_167 = arith.constant 0 : i32
      %dma_start3A_168 = tpu.memref_slice %arg4[%add3A, %dma_start3A_166, %dma_start3A_167] : memref<32x125x80xi32, #tpu.memory_space<hbm>> -> memref<1x125x80xi32, #tpu.memory_space<hbm>>
      %dma_start3A_169 = tpu.memref_squeeze %dma_start3A_168 : memref<1x125x80xi32, #tpu.memory_space<hbm>> -> memref<125x80xi32, #tpu.memory_space<hbm>>
      tpu.enqueue_dma source(%dma_start3A_169 : memref<125x80xi32, #tpu.memory_space<hbm>>) target(%arg11 : memref<125x80xi32, #tpu.memory_space<vmem>>) target_semaphore(%run_scoped3A : memref<!tpu.dma_semaphore, #tpu.memory_space<semaphore_mem>>)
      %dma_wait3A_170 = arith.constant 0 : i32
      %dma_wait3A_171 = arith.constant 0 : i32
      %dma_wait3A_172 = tpu.memref_slice %arg4[%add3A, %dma_wait3A_170, %dma_wait3A_171] : memref<32x125x80xi32, #tpu.memory_space<hbm>> -> memref<1x125x80xi32, #tpu.memory_space<hbm>>
      %dma_wait3A_173 = tpu.memref_squeeze %dma_wait3A_172 : memref<1x125x80xi32, #tpu.memory_space<hbm>> -> memref<125x80xi32, #tpu.memory_space<hbm>>
      %dma_wait3A_174 = arith.constant 0 : i32
      %dma_wait3A_175 = arith.constant 0 : i32
      %dma_wait3A_176 = tpu.memref_slice %arg4[%add3A, %dma_wait3A_174, %dma_wait3A_175] : memref<32x125x80xi32, #tpu.memory_space<hbm>> -> memref<1x125x80xi32, #tpu.memory_space<hbm>>
      %dma_wait3A_177 = tpu.memref_squeeze %dma_wait3A_176 : memref<1x125x80xi32, #tpu.memory_space<hbm>> -> memref<125x80xi32, #tpu.memory_space<hbm>>
      tpu.wait_dma2 semaphore(%run_scoped3A : memref<!tpu.dma_semaphore, #tpu.memory_space<semaphore_mem>>) src(%dma_wait3A_177 : memref<125x80xi32, #tpu.memory_space<hbm>>) dst(%arg11 : memref<125x80xi32, #tpu.memory_space<vmem>>)
      tpu.yield
    }) : () -> ()
    %barrier3A = arith.constant 0 : index
    tpu.barrier barrier_id(%barrier3A)
    %dma_start3A = arith.constant 0 : i32
    %dma_start3A_13 = arith.constant 0 : i32
    %dma_start3A_14 = tpu.memref_slice %arg10[%dma_start3A, %dma_start3A_13] : memref<125x80xi32, #tpu.memory_space<vmem>> -> memref<1x80xi32, #tpu.memory_space<vmem>>
    %dma_start3A_15 = tpu.memref_squeeze %dma_start3A_14 : memref<1x80xi32, #tpu.memory_space<vmem>> -> memref<80xi32, #tpu.memory_space<vmem>>
    %dma_start3A_16 = arith.constant 0 : i32
    %dma_start3A_17 = arith.constant 0 : i32
    %dma_start3A_18 = tpu.memref_slice %arg2[%dma_start3A_16, %dma_start3A_17] : memref<10000x128xbf16, #tpu.memory_space<hbm>> -> memref<10000x128xbf16, #tpu.memory_space<hbm>>
    tpu.enqueue_indirect_dma source(%dma_start3A_18 : memref<10000x128xbf16, #tpu.memory_space<hbm>>) target(%arg12 : memref<80x128xbf16, #tpu.memory_space<vmem>>) offsets(%dma_start3A_15 : memref<80xi32, #tpu.memory_space<vmem>>) semaphore(%arg22 : memref<!tpu.dma_semaphore, #tpu.memory_space<semaphore_mem>>)
    %dma_start3A_19 = arith.constant 1 : i32
    %dma_start3A_20 = arith.constant 0 : i32
    %dma_start3A_21 = tpu.memref_slice %arg10[%dma_start3A_19, %dma_start3A_20] : memref<125x80xi32, #tpu.memory_space<vmem>> -> memref<1x80xi32, #tpu.memory_space<vmem>>
    %dma_start3A_22 = tpu.memref_squeeze %dma_start3A_21 : memref<1x80xi32, #tpu.memory_space<vmem>> -> memref<80xi32, #tpu.memory_space<vmem>>
    %dma_start3A_23 = arith.constant 0 : i32
    %dma_start3A_24 = arith.constant 0 : i32
    %dma_start3A_25 = tpu.memref_slice %arg2[%dma_start3A_23, %dma_start3A_24] : memref<10000x128xbf16, #tpu.memory_space<hbm>> -> memref<10000x128xbf16, #tpu.memory_space<hbm>>
    tpu.enqueue_indirect_dma source(%dma_start3A_25 : memref<10000x128xbf16, #tpu.memory_space<hbm>>) target(%arg13 : memref<80x128xbf16, #tpu.memory_space<vmem>>) offsets(%dma_start3A_22 : memref<80xi32, #tpu.memory_space<vmem>>) semaphore(%arg23 : memref<!tpu.dma_semaphore, #tpu.memory_space<semaphore_mem>>)
    %scan3A = arith.constant 0 : i32
    %scan3A_26 = arith.constant 0 : i32
    %scan3A_27 = arith.constant 125 : i32
    %scan3A_28 = arith.addi %scan3A_26, %scan3A_27 : i32
    %scan3A_29 = arith.constant 1 : i32
    %scan3A_30 = scf.for %scan3A_162 = %scan3A_26 to %scan3A_28 step %scan3A_29 iter_args(%scan3A_163 = %scan3A) -> (i32)  : i32 {
      %jit3A = arith.constant 4 : i32
      %eq3A = arith.constant 0 : i32
      %eq3A_164 = arith.cmpi eq, %jit3A, %eq3A : i32
      %jit3A_165 = arith.constant 1 : i32
      %select_n3A = arith.select %eq3A_164, %jit3A_165, %jit3A : i32
      %rem3A = arith.remsi %scan3A_162, %select_n3A : i32
      %ne3A = arith.constant 0 : i32
      %ne3A_166 = arith.cmpi ne, %rem3A, %ne3A : i32
      %lt3A = arith.constant 0 : i32
      %lt3A_167 = arith.cmpi slt, %rem3A, %lt3A : i32
      %lt3A_168 = arith.constant 0 : i32
      %lt3A_169 = arith.cmpi slt, %select_n3A, %lt3A_168 : i32
      %ne3A_170 = arith.xori %lt3A_167, %lt3A_169 : i1
      %and3A = arith.andi %ne3A_170, %ne3A_166 : i1
      %add3A_171 = arith.addi %rem3A, %select_n3A : i32
      %select_n3A_172 = arith.select %and3A, %add3A_171, %rem3A : i32
      %eq3A_173 = arith.constant 0 : i32
      %eq3A_174 = arith.cmpi eq, %select_n3A_172, %eq3A_173 : i32
      %convert_element_type3A = arith.extui %eq3A_174 : i1 to i32
      %cond3A = arith.constant 0 : i32
      %cond3A_175 = arith.cmpi ne, %convert_element_type3A, %cond3A : i32
      scf.if %cond3A_175 {
        %dma_wait3A_240 = arith.constant 0 : i32
        %dma_wait3A_241 = tpu.memref_slice %arg10[%scan3A_162, %dma_wait3A_240] : memref<125x80xi32, #tpu.memory_space<vmem>> -> memref<1x80xi32, #tpu.memory_space<vmem>>
        %dma_wait3A_242 = tpu.memref_squeeze %dma_wait3A_241 : memref<1x80xi32, #tpu.memory_space<vmem>> -> memref<80xi32, #tpu.memory_space<vmem>>
        %dma_wait3A_243 = arith.constant 0 : i32
        %dma_wait3A_244 = arith.constant 0 : i32
        %dma_wait3A_245 = tpu.memref_slice %arg2[%dma_wait3A_243, %dma_wait3A_244] : memref<10000x128xbf16, #tpu.memory_space<hbm>> -> memref<10000x128xbf16, #tpu.memory_space<hbm>>
        tpu.wait_indirect_dma semaphore(%arg22 : memref<!tpu.dma_semaphore, #tpu.memory_space<semaphore_mem>>) src(%dma_wait3A_245 : memref<10000x128xbf16, #tpu.memory_space<hbm>>) dst(%arg12 : memref<80x128xbf16, #tpu.memory_space<vmem>>)
        %dma_start3A_246 = arith.constant 0 : i32
        %dma_start3A_247 = tpu.memref_slice %arg11[%scan3A_162, %dma_start3A_246] : memref<125x80xi32, #tpu.memory_space<vmem>> -> memref<1x80xi32, #tpu.memory_space<vmem>>
        %dma_start3A_248 = tpu.memref_squeeze %dma_start3A_247 : memref<1x80xi32, #tpu.memory_space<vmem>> -> memref<80xi32, #tpu.memory_space<vmem>>
        %dma_start3A_249 = arith.constant 0 : i32
        %dma_start3A_250 = arith.constant 0 : i32
        %dma_start3A_251 = tpu.memref_slice %arg20[%dma_start3A_249, %dma_start3A_250] : memref<10240x128xbf16, #tpu.memory_space<vmem_shared>> -> memref<10240x128xbf16, #tpu.memory_space<vmem_shared>>
        tpu.enqueue_indirect_dma source(%arg12 : memref<80x128xbf16, #tpu.memory_space<vmem>>) target(%dma_start3A_251 : memref<10240x128xbf16, #tpu.memory_space<vmem_shared>>) offsets(%dma_start3A_248 : memref<80xi32, #tpu.memory_space<vmem>>) semaphore(%arg26 : memref<!tpu.dma_semaphore, #tpu.memory_space<semaphore_mem>>) {add = true}
        %dma_start3A_252 = arith.constant 0 : i32
        %dma_start3A_253 = tpu.memref_slice %arg11[%scan3A_162, %dma_start3A_252] : memref<125x80xi32, #tpu.memory_space<vmem>> -> memref<1x80xi32, #tpu.memory_space<vmem>>
        %dma_start3A_254 = tpu.memref_squeeze %dma_start3A_253 : memref<1x80xi32, #tpu.memory_space<vmem>> -> memref<80xi32, #tpu.memory_space<vmem>>
        %dma_start3A_255 = arith.constant 0 : i32
        %dma_start3A_256 = tpu.memref_slice %arg21[%dma_start3A_255] : memref<10240xf32, #tpu.memory_space<vmem_shared>> -> memref<10240xf32, #tpu.memory_space<vmem_shared>>
        tpu.enqueue_indirect_dma source(%arg16 : memref<80xf32, #tpu.memory_space<vmem>>) target(%dma_start3A_256 : memref<10240xf32, #tpu.memory_space<vmem_shared>>) offsets(%dma_start3A_254 : memref<80xi32, #tpu.memory_space<vmem>>) semaphore(%arg30 : memref<!tpu.dma_semaphore, #tpu.memory_space<semaphore_mem>>) {add = true}
        %ge3A = arith.constant 2 : i32
        %ge3A_257 = arith.cmpi sge, %scan3A_162, %ge3A : i32
        %convert_element_type3A_258 = arith.extui %ge3A_257 : i1 to i32
        %cond3A_259 = arith.constant 0 : i32
        %cond3A_260 = arith.cmpi ne, %convert_element_type3A_258, %cond3A_259 : i32
        scf.if %cond3A_260 {
          %sub3A = arith.constant 2 : i32
          %sub3A_270 = arith.subi %scan3A_162, %sub3A : i32
          %max3A = arith.constant 0 : i32
          %max3A_271 = arith.maxsi %sub3A_270, %max3A : i32
          %dma_wait3A_272 = arith.constant 0 : i32
          %dma_wait3A_273 = tpu.memref_slice %arg11[%max3A_271, %dma_wait3A_272] : memref<125x80xi32, #tpu.memory_space<vmem>> -> memref<1x80xi32, #tpu.memory_space<vmem>>
          %dma_wait3A_274 = tpu.memref_squeeze %dma_wait3A_273 : memref<1x80xi32, #tpu.memory_space<vmem>> -> memref<80xi32, #tpu.memory_space<vmem>>
          %dma_wait3A_275 = arith.constant 0 : i32
          %dma_wait3A_276 = arith.constant 0 : i32
          %dma_wait3A_277 = tpu.memref_slice %arg20[%dma_wait3A_275, %dma_wait3A_276] : memref<10240x128xbf16, #tpu.memory_space<vmem_shared>> -> memref<10240x128xbf16, #tpu.memory_space<vmem_shared>>
          tpu.wait_indirect_dma semaphore(%arg28 : memref<!tpu.dma_semaphore, #tpu.memory_space<semaphore_mem>>) src(%arg14 : memref<80x128xbf16, #tpu.memory_space<vmem>>) dst(%dma_wait3A_277 : memref<10240x128xbf16, #tpu.memory_space<vmem_shared>>)
          %dma_wait3A_278 = arith.constant 0 : i32
          %dma_wait3A_279 = tpu.memref_slice %arg11[%max3A_271, %dma_wait3A_278] : memref<125x80xi32, #tpu.memory_space<vmem>> -> memref<1x80xi32, #tpu.memory_space<vmem>>
          %dma_wait3A_280 = tpu.memref_squeeze %dma_wait3A_279 : memref<1x80xi32, #tpu.memory_space<vmem>> -> memref<80xi32, #tpu.memory_space<vmem>>
          %dma_wait3A_281 = arith.constant 0 : i32
          %dma_wait3A_282 = tpu.memref_slice %arg21[%dma_wait3A_281] : memref<10240xf32, #tpu.memory_space<vmem_shared>> -> memref<10240xf32, #tpu.memory_space<vmem_shared>>
          tpu.wait_indirect_dma semaphore(%arg32 : memref<!tpu.dma_semaphore, #tpu.memory_space<semaphore_mem>>) src(%arg16 : memref<80xf32, #tpu.memory_space<vmem>>) dst(%dma_wait3A_282 : memref<10240xf32, #tpu.memory_space<vmem_shared>>)
        } else {
        }
        %add3A_261 = arith.constant 2 : i32
        %add3A_262 = arith.addi %scan3A_162, %add3A_261 : i32
        %min3A = arith.constant 124 : i32
        %min3A_263 = arith.minsi %add3A_262, %min3A : i32
        %dma_start3A_264 = arith.constant 0 : i32
        %dma_start3A_265 = tpu.memref_slice %arg10[%min3A_263, %dma_start3A_264] : memref<125x80xi32, #tpu.memory_space<vmem>> -> memref<1x80xi32, #tpu.memory_space<vmem>>
        %dma_start3A_266 = tpu.memref_squeeze %dma_start3A_265 : memref<1x80xi32, #tpu.memory_space<vmem>> -> memref<80xi32, #tpu.memory_space<vmem>>
        %dma_start3A_267 = arith.constant 0 : i32
        %dma_start3A_268 = arith.constant 0 : i32
        %dma_start3A_269 = tpu.memref_slice %arg2[%dma_start3A_267, %dma_start3A_268] : memref<10000x128xbf16, #tpu.memory_space<hbm>> -> memref<10000x128xbf16, #tpu.memory_space<hbm>>
        tpu.enqueue_indirect_dma source(%dma_start3A_269 : memref<10000x128xbf16, #tpu.memory_space<hbm>>) target(%arg14 : memref<80x128xbf16, #tpu.memory_space<vmem>>) offsets(%dma_start3A_266 : memref<80xi32, #tpu.memory_space<vmem>>) semaphore(%arg24 : memref<!tpu.dma_semaphore, #tpu.memory_space<semaphore_mem>>)
      } else {
      }
      %jit3A_176 = arith.constant 4 : i32
      %eq3A_177 = arith.constant 0 : i32
      %eq3A_178 = arith.cmpi eq, %jit3A_176, %eq3A_177 : i32
      %jit3A_179 = arith.constant 1 : i32
      %select_n3A_180 = arith.select %eq3A_178, %jit3A_179, %jit3A_176 : i32
      %rem3A_181 = arith.remsi %scan3A_162, %select_n3A_180 : i32
      %ne3A_182 = arith.constant 0 : i32
      %ne3A_183 = arith.cmpi ne, %rem3A_181, %ne3A_182 : i32
      %lt3A_184 = arith.constant 0 : i32
      %lt3A_185 = arith.cmpi slt, %rem3A_181, %lt3A_184 : i32
      %lt3A_186 = arith.constant 0 : i32
      %lt3A_187 = arith.cmpi slt, %select_n3A_180, %lt3A_186 : i32
      %ne3A_188 = arith.xori %lt3A_185, %lt3A_187 : i1
      %and3A_189 = arith.andi %ne3A_188, %ne3A_183 : i1
      %add3A_190 = arith.addi %rem3A_181, %select_n3A_180 : i32
      %select_n3A_191 = arith.select %and3A_189, %add3A_190, %rem3A_181 : i32
      %eq3A_192 = arith.constant 1 : i32
      %eq3A_193 = arith.cmpi eq, %select_n3A_191, %eq3A_192 : i32
      %convert_element_type3A_194 = arith.extui %eq3A_193 : i1 to i32
      %cond3A_195 = arith.constant 0 : i32
      %cond3A_196 = arith.cmpi ne, %convert_element_type3A_194, %cond3A_195 : i32
      scf.if %cond3A_196 {
        %dma_wait3A_240 = arith.constant 0 : i32
        %dma_wait3A_241 = tpu.memref_slice %arg10[%scan3A_162, %dma_wait3A_240] : memref<125x80xi32, #tpu.memory_space<vmem>> -> memref<1x80xi32, #tpu.memory_space<vmem>>
        %dma_wait3A_242 = tpu.memref_squeeze %dma_wait3A_241 : memref<1x80xi32, #tpu.memory_space<vmem>> -> memref<80xi32, #tpu.memory_space<vmem>>
        %dma_wait3A_243 = arith.constant 0 : i32
        %dma_wait3A_244 = arith.constant 0 : i32
        %dma_wait3A_245 = tpu.memref_slice %arg2[%dma_wait3A_243, %dma_wait3A_244] : memref<10000x128xbf16, #tpu.memory_space<hbm>> -> memref<10000x128xbf16, #tpu.memory_space<hbm>>
        tpu.wait_indirect_dma semaphore(%arg23 : memref<!tpu.dma_semaphore, #tpu.memory_space<semaphore_mem>>) src(%dma_wait3A_245 : memref<10000x128xbf16, #tpu.memory_space<hbm>>) dst(%arg13 : memref<80x128xbf16, #tpu.memory_space<vmem>>)
        %dma_start3A_246 = arith.constant 0 : i32
        %dma_start3A_247 = tpu.memref_slice %arg11[%scan3A_162, %dma_start3A_246] : memref<125x80xi32, #tpu.memory_space<vmem>> -> memref<1x80xi32, #tpu.memory_space<vmem>>
        %dma_start3A_248 = tpu.memref_squeeze %dma_start3A_247 : memref<1x80xi32, #tpu.memory_space<vmem>> -> memref<80xi32, #tpu.memory_space<vmem>>
        %dma_start3A_249 = arith.constant 0 : i32
        %dma_start3A_250 = arith.constant 0 : i32
        %dma_start3A_251 = tpu.memref_slice %arg20[%dma_start3A_249, %dma_start3A_250] : memref<10240x128xbf16, #tpu.memory_space<vmem_shared>> -> memref<10240x128xbf16, #tpu.memory_space<vmem_shared>>
        tpu.enqueue_indirect_dma source(%arg13 : memref<80x128xbf16, #tpu.memory_space<vmem>>) target(%dma_start3A_251 : memref<10240x128xbf16, #tpu.memory_space<vmem_shared>>) offsets(%dma_start3A_248 : memref<80xi32, #tpu.memory_space<vmem>>) semaphore(%arg27 : memref<!tpu.dma_semaphore, #tpu.memory_space<semaphore_mem>>) {add = true}
        %dma_start3A_252 = arith.constant 0 : i32
        %dma_start3A_253 = tpu.memref_slice %arg11[%scan3A_162, %dma_start3A_252] : memref<125x80xi32, #tpu.memory_space<vmem>> -> memref<1x80xi32, #tpu.memory_space<vmem>>
        %dma_start3A_254 = tpu.memref_squeeze %dma_start3A_253 : memref<1x80xi32, #tpu.memory_space<vmem>> -> memref<80xi32, #tpu.memory_space<vmem>>
        %dma_start3A_255 = arith.constant 0 : i32
        %dma_start3A_256 = tpu.memref_slice %arg21[%dma_start3A_255] : memref<10240xf32, #tpu.memory_space<vmem_shared>> -> memref<10240xf32, #tpu.memory_space<vmem_shared>>
        tpu.enqueue_indirect_dma source(%arg16 : memref<80xf32, #tpu.memory_space<vmem>>) target(%dma_start3A_256 : memref<10240xf32, #tpu.memory_space<vmem_shared>>) offsets(%dma_start3A_254 : memref<80xi32, #tpu.memory_space<vmem>>) semaphore(%arg31 : memref<!tpu.dma_semaphore, #tpu.memory_space<semaphore_mem>>) {add = true}
        %ge3A = arith.constant 2 : i32
        %ge3A_257 = arith.cmpi sge, %scan3A_162, %ge3A : i32
        %convert_element_type3A_258 = arith.extui %ge3A_257 : i1 to i32
        %cond3A_259 = arith.constant 0 : i32
        %cond3A_260 = arith.cmpi ne, %convert_element_type3A_258, %cond3A_259 : i32
        scf.if %cond3A_260 {
          %sub3A = arith.constant 2 : i32
          %sub3A_270 = arith.subi %scan3A_162, %sub3A : i32
          %max3A = arith.constant 0 : i32
          %max3A_271 = arith.maxsi %sub3A_270, %max3A : i32
          %dma_wait3A_272 = arith.constant 0 : i32
          %dma_wait3A_273 = tpu.memref_slice %arg11[%max3A_271, %dma_wait3A_272] : memref<125x80xi32, #tpu.memory_space<vmem>> -> memref<1x80xi32, #tpu.memory_space<vmem>>
          %dma_wait3A_274 = tpu.memref_squeeze %dma_wait3A_273 : memref<1x80xi32, #tpu.memory_space<vmem>> -> memref<80xi32, #tpu.memory_space<vmem>>
          %dma_wait3A_275 = arith.constant 0 : i32
          %dma_wait3A_276 = arith.constant 0 : i32
          %dma_wait3A_277 = tpu.memref_slice %arg20[%dma_wait3A_275, %dma_wait3A_276] : memref<10240x128xbf16, #tpu.memory_space<vmem_shared>> -> memref<10240x128xbf16, #tpu.memory_space<vmem_shared>>
          tpu.wait_indirect_dma semaphore(%arg29 : memref<!tpu.dma_semaphore, #tpu.memory_space<semaphore_mem>>) src(%arg15 : memref<80x128xbf16, #tpu.memory_space<vmem>>) dst(%dma_wait3A_277 : memref<10240x128xbf16, #tpu.memory_space<vmem_shared>>)
          %dma_wait3A_278 = arith.constant 0 : i32
          %dma_wait3A_279 = tpu.memref_slice %arg11[%max3A_271, %dma_wait3A_278] : memref<125x80xi32, #tpu.memory_space<vmem>> -> memref<1x80xi32, #tpu.memory_space<vmem>>
          %dma_wait3A_280 = tpu.memref_squeeze %dma_wait3A_279 : memref<1x80xi32, #tpu.memory_space<vmem>> -> memref<80xi32, #tpu.memory_space<vmem>>
          %dma_wait3A_281 = arith.constant 0 : i32
          %dma_wait3A_282 = tpu.memref_slice %arg21[%dma_wait3A_281] : memref<10240xf32, #tpu.memory_space<vmem_shared>> -> memref<10240xf32, #tpu.memory_space<vmem_shared>>
          tpu.wait_indirect_dma semaphore(%arg33 : memref<!tpu.dma_semaphore, #tpu.memory_space<semaphore_mem>>) src(%arg16 : memref<80xf32, #tpu.memory_space<vmem>>) dst(%dma_wait3A_282 : memref<10240xf32, #tpu.memory_space<vmem_shared>>)
        } else {
        }
        %add3A_261 = arith.constant 2 : i32
        %add3A_262 = arith.addi %scan3A_162, %add3A_261 : i32
        %min3A = arith.constant 124 : i32
        %min3A_263 = arith.minsi %add3A_262, %min3A : i32
        %dma_start3A_264 = arith.constant 0 : i32
        %dma_start3A_265 = tpu.memref_slice %arg10[%min3A_263, %dma_start3A_264] : memref<125x80xi32, #tpu.memory_space<vmem>> -> memref<1x80xi32, #tpu.memory_space<vmem>>
        %dma_start3A_266 = tpu.memref_squeeze %dma_start3A_265 : memref<1x80xi32, #tpu.memory_space<vmem>> -> memref<80xi32, #tpu.memory_space<vmem>>
        %dma_start3A_267 = arith.constant 0 : i32
        %dma_start3A_268 = arith.constant 0 : i32
        %dma_start3A_269 = tpu.memref_slice %arg2[%dma_start3A_267, %dma_start3A_268] : memref<10000x128xbf16, #tpu.memory_space<hbm>> -> memref<10000x128xbf16, #tpu.memory_space<hbm>>
        tpu.enqueue_indirect_dma source(%dma_start3A_269 : memref<10000x128xbf16, #tpu.memory_space<hbm>>) target(%arg15 : memref<80x128xbf16, #tpu.memory_space<vmem>>) offsets(%dma_start3A_266 : memref<80xi32, #tpu.memory_space<vmem>>) semaphore(%arg25 : memref<!tpu.dma_semaphore, #tpu.memory_space<semaphore_mem>>)
      } else {
      }
      %jit3A_197 = arith.constant 4 : i32
      %eq3A_198 = arith.constant 0 : i32
      %eq3A_199 = arith.cmpi eq, %jit3A_197, %eq3A_198 : i32
      %jit3A_200 = arith.constant 1 : i32
      %select_n3A_201 = arith.select %eq3A_199, %jit3A_200, %jit3A_197 : i32
      %rem3A_202 = arith.remsi %scan3A_162, %select_n3A_201 : i32
      %ne3A_203 = arith.constant 0 : i32
      %ne3A_204 = arith.cmpi ne, %rem3A_202, %ne3A_203 : i32
      %lt3A_205 = arith.constant 0 : i32
      %lt3A_206 = arith.cmpi slt, %rem3A_202, %lt3A_205 : i32
      %lt3A_207 = arith.constant 0 : i32
      %lt3A_208 = arith.cmpi slt, %select_n3A_201, %lt3A_207 : i32
      %ne3A_209 = arith.xori %lt3A_206, %lt3A_208 : i1
      %and3A_210 = arith.andi %ne3A_209, %ne3A_204 : i1
      %add3A_211 = arith.addi %rem3A_202, %select_n3A_201 : i32
      %select_n3A_212 = arith.select %and3A_210, %add3A_211, %rem3A_202 : i32
      %eq3A_213 = arith.constant 2 : i32
      %eq3A_214 = arith.cmpi eq, %select_n3A_212, %eq3A_213 : i32
      %convert_element_type3A_215 = arith.extui %eq3A_214 : i1 to i32
      %cond3A_216 = arith.constant 0 : i32
      %cond3A_217 = arith.cmpi ne, %convert_element_type3A_215, %cond3A_216 : i32
      scf.if %cond3A_217 {
        %dma_wait3A_240 = arith.constant 0 : i32
        %dma_wait3A_241 = tpu.memref_slice %arg10[%scan3A_162, %dma_wait3A_240] : memref<125x80xi32, #tpu.memory_space<vmem>> -> memref<1x80xi32, #tpu.memory_space<vmem>>
        %dma_wait3A_242 = tpu.memref_squeeze %dma_wait3A_241 : memref<1x80xi32, #tpu.memory_space<vmem>> -> memref<80xi32, #tpu.memory_space<vmem>>
        %dma_wait3A_243 = arith.constant 0 : i32
        %dma_wait3A_244 = arith.constant 0 : i32
        %dma_wait3A_245 = tpu.memref_slice %arg2[%dma_wait3A_243, %dma_wait3A_244] : memref<10000x128xbf16, #tpu.memory_space<hbm>> -> memref<10000x128xbf16, #tpu.memory_space<hbm>>
        tpu.wait_indirect_dma semaphore(%arg24 : memref<!tpu.dma_semaphore, #tpu.memory_space<semaphore_mem>>) src(%dma_wait3A_245 : memref<10000x128xbf16, #tpu.memory_space<hbm>>) dst(%arg14 : memref<80x128xbf16, #tpu.memory_space<vmem>>)
        %dma_start3A_246 = arith.constant 0 : i32
        %dma_start3A_247 = tpu.memref_slice %arg11[%scan3A_162, %dma_start3A_246] : memref<125x80xi32, #tpu.memory_space<vmem>> -> memref<1x80xi32, #tpu.memory_space<vmem>>
        %dma_start3A_248 = tpu.memref_squeeze %dma_start3A_247 : memref<1x80xi32, #tpu.memory_space<vmem>> -> memref<80xi32, #tpu.memory_space<vmem>>
        %dma_start3A_249 = arith.constant 0 : i32
        %dma_start3A_250 = arith.constant 0 : i32
        %dma_start3A_251 = tpu.memref_slice %arg20[%dma_start3A_249, %dma_start3A_250] : memref<10240x128xbf16, #tpu.memory_space<vmem_shared>> -> memref<10240x128xbf16, #tpu.memory_space<vmem_shared>>
        tpu.enqueue_indirect_dma source(%arg14 : memref<80x128xbf16, #tpu.memory_space<vmem>>) target(%dma_start3A_251 : memref<10240x128xbf16, #tpu.memory_space<vmem_shared>>) offsets(%dma_start3A_248 : memref<80xi32, #tpu.memory_space<vmem>>) semaphore(%arg28 : memref<!tpu.dma_semaphore, #tpu.memory_space<semaphore_mem>>) {add = true}
        %dma_start3A_252 = arith.constant 0 : i32
        %dma_start3A_253 = tpu.memref_slice %arg11[%scan3A_162, %dma_start3A_252] : memref<125x80xi32, #tpu.memory_space<vmem>> -> memref<1x80xi32, #tpu.memory_space<vmem>>
        %dma_start3A_254 = tpu.memref_squeeze %dma_start3A_253 : memref<1x80xi32, #tpu.memory_space<vmem>> -> memref<80xi32, #tpu.memory_space<vmem>>
        %dma_start3A_255 = arith.constant 0 : i32
        %dma_start3A_256 = tpu.memref_slice %arg21[%dma_start3A_255] : memref<10240xf32, #tpu.memory_space<vmem_shared>> -> memref<10240xf32, #tpu.memory_space<vmem_shared>>
        tpu.enqueue_indirect_dma source(%arg16 : memref<80xf32, #tpu.memory_space<vmem>>) target(%dma_start3A_256 : memref<10240xf32, #tpu.memory_space<vmem_shared>>) offsets(%dma_start3A_254 : memref<80xi32, #tpu.memory_space<vmem>>) semaphore(%arg32 : memref<!tpu.dma_semaphore, #tpu.memory_space<semaphore_mem>>) {add = true}
        %ge3A = arith.constant 2 : i32
        %ge3A_257 = arith.cmpi sge, %scan3A_162, %ge3A : i32
        %convert_element_type3A_258 = arith.extui %ge3A_257 : i1 to i32
        %cond3A_259 = arith.constant 0 : i32
        %cond3A_260 = arith.cmpi ne, %convert_element_type3A_258, %cond3A_259 : i32
        scf.if %cond3A_260 {
          %sub3A = arith.constant 2 : i32
          %sub3A_270 = arith.subi %scan3A_162, %sub3A : i32
          %max3A = arith.constant 0 : i32
          %max3A_271 = arith.maxsi %sub3A_270, %max3A : i32
          %dma_wait3A_272 = arith.constant 0 : i32
          %dma_wait3A_273 = tpu.memref_slice %arg11[%max3A_271, %dma_wait3A_272] : memref<125x80xi32, #tpu.memory_space<vmem>> -> memref<1x80xi32, #tpu.memory_space<vmem>>
          %dma_wait3A_274 = tpu.memref_squeeze %dma_wait3A_273 : memref<1x80xi32, #tpu.memory_space<vmem>> -> memref<80xi32, #tpu.memory_space<vmem>>
          %dma_wait3A_275 = arith.constant 0 : i32
          %dma_wait3A_276 = arith.constant 0 : i32
          %dma_wait3A_277 = tpu.memref_slice %arg20[%dma_wait3A_275, %dma_wait3A_276] : memref<10240x128xbf16, #tpu.memory_space<vmem_shared>> -> memref<10240x128xbf16, #tpu.memory_space<vmem_shared>>
          tpu.wait_indirect_dma semaphore(%arg26 : memref<!tpu.dma_semaphore, #tpu.memory_space<semaphore_mem>>) src(%arg12 : memref<80x128xbf16, #tpu.memory_space<vmem>>) dst(%dma_wait3A_277 : memref<10240x128xbf16, #tpu.memory_space<vmem_shared>>)
          %dma_wait3A_278 = arith.constant 0 : i32
          %dma_wait3A_279 = tpu.memref_slice %arg11[%max3A_271, %dma_wait3A_278] : memref<125x80xi32, #tpu.memory_space<vmem>> -> memref<1x80xi32, #tpu.memory_space<vmem>>
          %dma_wait3A_280 = tpu.memref_squeeze %dma_wait3A_279 : memref<1x80xi32, #tpu.memory_space<vmem>> -> memref<80xi32, #tpu.memory_space<vmem>>
          %dma_wait3A_281 = arith.constant 0 : i32
          %dma_wait3A_282 = tpu.memref_slice %arg21[%dma_wait3A_281] : memref<10240xf32, #tpu.memory_space<vmem_shared>> -> memref<10240xf32, #tpu.memory_space<vmem_shared>>
          tpu.wait_indirect_dma semaphore(%arg30 : memref<!tpu.dma_semaphore, #tpu.memory_space<semaphore_mem>>) src(%arg16 : memref<80xf32, #tpu.memory_space<vmem>>) dst(%dma_wait3A_282 : memref<10240xf32, #tpu.memory_space<vmem_shared>>)
        } else {
        }
        %add3A_261 = arith.constant 2 : i32
        %add3A_262 = arith.addi %scan3A_162, %add3A_261 : i32
        %min3A = arith.constant 124 : i32
        %min3A_263 = arith.minsi %add3A_262, %min3A : i32
        %dma_start3A_264 = arith.constant 0 : i32
        %dma_start3A_265 = tpu.memref_slice %arg10[%min3A_263, %dma_start3A_264] : memref<125x80xi32, #tpu.memory_space<vmem>> -> memref<1x80xi32, #tpu.memory_space<vmem>>
        %dma_start3A_266 = tpu.memref_squeeze %dma_start3A_265 : memref<1x80xi32, #tpu.memory_space<vmem>> -> memref<80xi32, #tpu.memory_space<vmem>>
        %dma_start3A_267 = arith.constant 0 : i32
        %dma_start3A_268 = arith.constant 0 : i32
        %dma_start3A_269 = tpu.memref_slice %arg2[%dma_start3A_267, %dma_start3A_268] : memref<10000x128xbf16, #tpu.memory_space<hbm>> -> memref<10000x128xbf16, #tpu.memory_space<hbm>>
        tpu.enqueue_indirect_dma source(%dma_start3A_269 : memref<10000x128xbf16, #tpu.memory_space<hbm>>) target(%arg12 : memref<80x128xbf16, #tpu.memory_space<vmem>>) offsets(%dma_start3A_266 : memref<80xi32, #tpu.memory_space<vmem>>) semaphore(%arg22 : memref<!tpu.dma_semaphore, #tpu.memory_space<semaphore_mem>>)
      } else {
      }
      %jit3A_218 = arith.constant 4 : i32
      %eq3A_219 = arith.constant 0 : i32
      %eq3A_220 = arith.cmpi eq, %jit3A_218, %eq3A_219 : i32
      %jit3A_221 = arith.constant 1 : i32
      %select_n3A_222 = arith.select %eq3A_220, %jit3A_221, %jit3A_218 : i32
      %rem3A_223 = arith.remsi %scan3A_162, %select_n3A_222 : i32
      %ne3A_224 = arith.constant 0 : i32
      %ne3A_225 = arith.cmpi ne, %rem3A_223, %ne3A_224 : i32
      %lt3A_226 = arith.constant 0 : i32
      %lt3A_227 = arith.cmpi slt, %rem3A_223, %lt3A_226 : i32
      %lt3A_228 = arith.constant 0 : i32
      %lt3A_229 = arith.cmpi slt, %select_n3A_222, %lt3A_228 : i32
      %ne3A_230 = arith.xori %lt3A_227, %lt3A_229 : i1
      %and3A_231 = arith.andi %ne3A_230, %ne3A_225 : i1
      %add3A_232 = arith.addi %rem3A_223, %select_n3A_222 : i32
      %select_n3A_233 = arith.select %and3A_231, %add3A_232, %rem3A_223 : i32
      %eq3A_234 = arith.constant 3 : i32
      %eq3A_235 = arith.cmpi eq, %select_n3A_233, %eq3A_234 : i32
      %convert_element_type3A_236 = arith.extui %eq3A_235 : i1 to i32
      %cond3A_237 = arith.constant 0 : i32
      %cond3A_238 = arith.cmpi ne, %convert_element_type3A_236, %cond3A_237 : i32
      scf.if %cond3A_238 {
        %dma_wait3A_240 = arith.constant 0 : i32
        %dma_wait3A_241 = tpu.memref_slice %arg10[%scan3A_162, %dma_wait3A_240] : memref<125x80xi32, #tpu.memory_space<vmem>> -> memref<1x80xi32, #tpu.memory_space<vmem>>
        %dma_wait3A_242 = tpu.memref_squeeze %dma_wait3A_241 : memref<1x80xi32, #tpu.memory_space<vmem>> -> memref<80xi32, #tpu.memory_space<vmem>>
        %dma_wait3A_243 = arith.constant 0 : i32
        %dma_wait3A_244 = arith.constant 0 : i32
        %dma_wait3A_245 = tpu.memref_slice %arg2[%dma_wait3A_243, %dma_wait3A_244] : memref<10000x128xbf16, #tpu.memory_space<hbm>> -> memref<10000x128xbf16, #tpu.memory_space<hbm>>
        tpu.wait_indirect_dma semaphore(%arg25 : memref<!tpu.dma_semaphore, #tpu.memory_space<semaphore_mem>>) src(%dma_wait3A_245 : memref<10000x128xbf16, #tpu.memory_space<hbm>>) dst(%arg15 : memref<80x128xbf16, #tpu.memory_space<vmem>>)
        %dma_start3A_246 = arith.constant 0 : i32
        %dma_start3A_247 = tpu.memref_slice %arg11[%scan3A_162, %dma_start3A_246] : memref<125x80xi32, #tpu.memory_space<vmem>> -> memref<1x80xi32, #tpu.memory_space<vmem>>
        %dma_start3A_248 = tpu.memref_squeeze %dma_start3A_247 : memref<1x80xi32, #tpu.memory_space<vmem>> -> memref<80xi32, #tpu.memory_space<vmem>>
        %dma_start3A_249 = arith.constant 0 : i32
        %dma_start3A_250 = arith.constant 0 : i32
        %dma_start3A_251 = tpu.memref_slice %arg20[%dma_start3A_249, %dma_start3A_250] : memref<10240x128xbf16, #tpu.memory_space<vmem_shared>> -> memref<10240x128xbf16, #tpu.memory_space<vmem_shared>>
        tpu.enqueue_indirect_dma source(%arg15 : memref<80x128xbf16, #tpu.memory_space<vmem>>) target(%dma_start3A_251 : memref<10240x128xbf16, #tpu.memory_space<vmem_shared>>) offsets(%dma_start3A_248 : memref<80xi32, #tpu.memory_space<vmem>>) semaphore(%arg29 : memref<!tpu.dma_semaphore, #tpu.memory_space<semaphore_mem>>) {add = true}
        %dma_start3A_252 = arith.constant 0 : i32
        %dma_start3A_253 = tpu.memref_slice %arg11[%scan3A_162, %dma_start3A_252] : memref<125x80xi32, #tpu.memory_space<vmem>> -> memref<1x80xi32, #tpu.memory_space<vmem>>
        %dma_start3A_254 = tpu.memref_squeeze %dma_start3A_253 : memref<1x80xi32, #tpu.memory_space<vmem>> -> memref<80xi32, #tpu.memory_space<vmem>>
        %dma_start3A_255 = arith.constant 0 : i32
        %dma_start3A_256 = tpu.memref_slice %arg21[%dma_start3A_255] : memref<10240xf32, #tpu.memory_space<vmem_shared>> -> memref<10240xf32, #tpu.memory_space<vmem_shared>>
        tpu.enqueue_indirect_dma source(%arg16 : memref<80xf32, #tpu.memory_space<vmem>>) target(%dma_start3A_256 : memref<10240xf32, #tpu.memory_space<vmem_shared>>) offsets(%dma_start3A_254 : memref<80xi32, #tpu.memory_space<vmem>>) semaphore(%arg33 : memref<!tpu.dma_semaphore, #tpu.memory_space<semaphore_mem>>) {add = true}
        %ge3A = arith.constant 2 : i32
        %ge3A_257 = arith.cmpi sge, %scan3A_162, %ge3A : i32
        %convert_element_type3A_258 = arith.extui %ge3A_257 : i1 to i32
        %cond3A_259 = arith.constant 0 : i32
        %cond3A_260 = arith.cmpi ne, %convert_element_type3A_258, %cond3A_259 : i32
        scf.if %cond3A_260 {
          %sub3A = arith.constant 2 : i32
          %sub3A_270 = arith.subi %scan3A_162, %sub3A : i32
          %max3A = arith.constant 0 : i32
          %max3A_271 = arith.maxsi %sub3A_270, %max3A : i32
          %dma_wait3A_272 = arith.constant 0 : i32
          %dma_wait3A_273 = tpu.memref_slice %arg11[%max3A_271, %dma_wait3A_272] : memref<125x80xi32, #tpu.memory_space<vmem>> -> memref<1x80xi32, #tpu.memory_space<vmem>>
          %dma_wait3A_274 = tpu.memref_squeeze %dma_wait3A_273 : memref<1x80xi32, #tpu.memory_space<vmem>> -> memref<80xi32, #tpu.memory_space<vmem>>
          %dma_wait3A_275 = arith.constant 0 : i32
          %dma_wait3A_276 = arith.constant 0 : i32
          %dma_wait3A_277 = tpu.memref_slice %arg20[%dma_wait3A_275, %dma_wait3A_276] : memref<10240x128xbf16, #tpu.memory_space<vmem_shared>> -> memref<10240x128xbf16, #tpu.memory_space<vmem_shared>>
          tpu.wait_indirect_dma semaphore(%arg27 : memref<!tpu.dma_semaphore, #tpu.memory_space<semaphore_mem>>) src(%arg13 : memref<80x128xbf16, #tpu.memory_space<vmem>>) dst(%dma_wait3A_277 : memref<10240x128xbf16, #tpu.memory_space<vmem_shared>>)
          %dma_wait3A_278 = arith.constant 0 : i32
          %dma_wait3A_279 = tpu.memref_slice %arg11[%max3A_271, %dma_wait3A_278] : memref<125x80xi32, #tpu.memory_space<vmem>> -> memref<1x80xi32, #tpu.memory_space<vmem>>
          %dma_wait3A_280 = tpu.memref_squeeze %dma_wait3A_279 : memref<1x80xi32, #tpu.memory_space<vmem>> -> memref<80xi32, #tpu.memory_space<vmem>>
          %dma_wait3A_281 = arith.constant 0 : i32
          %dma_wait3A_282 = tpu.memref_slice %arg21[%dma_wait3A_281] : memref<10240xf32, #tpu.memory_space<vmem_shared>> -> memref<10240xf32, #tpu.memory_space<vmem_shared>>
          tpu.wait_indirect_dma semaphore(%arg31 : memref<!tpu.dma_semaphore, #tpu.memory_space<semaphore_mem>>) src(%arg16 : memref<80xf32, #tpu.memory_space<vmem>>) dst(%dma_wait3A_282 : memref<10240xf32, #tpu.memory_space<vmem_shared>>)
        } else {
        }
        %add3A_261 = arith.constant 2 : i32
        %add3A_262 = arith.addi %scan3A_162, %add3A_261 : i32
        %min3A = arith.constant 124 : i32
        %min3A_263 = arith.minsi %add3A_262, %min3A : i32
        %dma_start3A_264 = arith.constant 0 : i32
        %dma_start3A_265 = tpu.memref_slice %arg10[%min3A_263, %dma_start3A_264] : memref<125x80xi32, #tpu.memory_space<vmem>> -> memref<1x80xi32, #tpu.memory_space<vmem>>
        %dma_start3A_266 = tpu.memref_squeeze %dma_start3A_265 : memref<1x80xi32, #tpu.memory_space<vmem>> -> memref<80xi32, #tpu.memory_space<vmem>>
        %dma_start3A_267 = arith.constant 0 : i32
        %dma_start3A_268 = arith.constant 0 : i32
        %dma_start3A_269 = tpu.memref_slice %arg2[%dma_start3A_267, %dma_start3A_268] : memref<10000x128xbf16, #tpu.memory_space<hbm>> -> memref<10000x128xbf16, #tpu.memory_space<hbm>>
        tpu.enqueue_indirect_dma source(%dma_start3A_269 : memref<10000x128xbf16, #tpu.memory_space<hbm>>) target(%arg13 : memref<80x128xbf16, #tpu.memory_space<vmem>>) offsets(%dma_start3A_266 : memref<80xi32, #tpu.memory_space<vmem>>) semaphore(%arg23 : memref<!tpu.dma_semaphore, #tpu.memory_space<semaphore_mem>>)
      } else {
      }
      %scan3A_239 = arith.constant 0 : i32
      scf.yield %scan3A_239 : i32
    }
    %scan3A_31 = arith.constant 125 : i32
    %dma_wait3A = arith.constant 0 : i32
    %dma_wait3A_32 = arith.constant 0 : i32
    %dma_wait3A_33 = tpu.memref_slice %arg10[%dma_wait3A, %dma_wait3A_32] : memref<125x80xi32, #tpu.memory_space<vmem>> -> memref<1x80xi32, #tpu.memory_space<vmem>>
    %dma_wait3A_34 = tpu.memref_squeeze %dma_wait3A_33 : memref<1x80xi32, #tpu.memory_space<vmem>> -> memref<80xi32, #tpu.memory_space<vmem>>
    %dma_wait3A_35 = arith.constant 0 : i32
    %dma_wait3A_36 = arith.constant 0 : i32
    %dma_wait3A_37 = tpu.memref_slice %arg2[%dma_wait3A_35, %dma_wait3A_36] : memref<10000x128xbf16, #tpu.memory_space<hbm>> -> memref<10000x128xbf16, #tpu.memory_space<hbm>>
    tpu.wait_indirect_dma semaphore(%arg23 : memref<!tpu.dma_semaphore, #tpu.memory_space<semaphore_mem>>) src(%dma_wait3A_37 : memref<10000x128xbf16, #tpu.memory_space<hbm>>) dst(%arg13 : memref<80x128xbf16, #tpu.memory_space<vmem>>)
    %dma_wait3A_38 = arith.constant 0 : i32
    %dma_wait3A_39 = arith.constant 0 : i32
    %dma_wait3A_40 = tpu.memref_slice %arg10[%dma_wait3A_38, %dma_wait3A_39] : memref<125x80xi32, #tpu.memory_space<vmem>> -> memref<1x80xi32, #tpu.memory_space<vmem>>
    %dma_wait3A_41 = tpu.memref_squeeze %dma_wait3A_40 : memref<1x80xi32, #tpu.memory_space<vmem>> -> memref<80xi32, #tpu.memory_space<vmem>>
    %dma_wait3A_42 = arith.constant 0 : i32
    %dma_wait3A_43 = arith.constant 0 : i32
    %dma_wait3A_44 = tpu.memref_slice %arg2[%dma_wait3A_42, %dma_wait3A_43] : memref<10000x128xbf16, #tpu.memory_space<hbm>> -> memref<10000x128xbf16, #tpu.memory_space<hbm>>
    tpu.wait_indirect_dma semaphore(%arg24 : memref<!tpu.dma_semaphore, #tpu.memory_space<semaphore_mem>>) src(%dma_wait3A_44 : memref<10000x128xbf16, #tpu.memory_space<hbm>>) dst(%arg14 : memref<80x128xbf16, #tpu.memory_space<vmem>>)
    %dma_wait3A_45 = arith.constant 0 : i32
    %dma_wait3A_46 = arith.constant 0 : i32
    %dma_wait3A_47 = tpu.memref_slice %arg11[%dma_wait3A_45, %dma_wait3A_46] : memref<125x80xi32, #tpu.memory_space<vmem>> -> memref<1x80xi32, #tpu.memory_space<vmem>>
    %dma_wait3A_48 = tpu.memref_squeeze %dma_wait3A_47 : memref<1x80xi32, #tpu.memory_space<vmem>> -> memref<80xi32, #tpu.memory_space<vmem>>
    %dma_wait3A_49 = arith.constant 0 : i32
    %dma_wait3A_50 = arith.constant 0 : i32
    %dma_wait3A_51 = tpu.memref_slice %arg20[%dma_wait3A_49, %dma_wait3A_50] : memref<10240x128xbf16, #tpu.memory_space<vmem_shared>> -> memref<10240x128xbf16, #tpu.memory_space<vmem_shared>>
    tpu.wait_indirect_dma semaphore(%arg29 : memref<!tpu.dma_semaphore, #tpu.memory_space<semaphore_mem>>) src(%arg15 : memref<80x128xbf16, #tpu.memory_space<vmem>>) dst(%dma_wait3A_51 : memref<10240x128xbf16, #tpu.memory_space<vmem_shared>>)
    %dma_wait3A_52 = arith.constant 0 : i32
    %dma_wait3A_53 = arith.constant 0 : i32
    %dma_wait3A_54 = tpu.memref_slice %arg11[%dma_wait3A_52, %dma_wait3A_53] : memref<125x80xi32, #tpu.memory_space<vmem>> -> memref<1x80xi32, #tpu.memory_space<vmem>>
    %dma_wait3A_55 = tpu.memref_squeeze %dma_wait3A_54 : memref<1x80xi32, #tpu.memory_space<vmem>> -> memref<80xi32, #tpu.memory_space<vmem>>
    %dma_wait3A_56 = arith.constant 0 : i32
    %dma_wait3A_57 = tpu.memref_slice %arg21[%dma_wait3A_56] : memref<10240xf32, #tpu.memory_space<vmem_shared>> -> memref<10240xf32, #tpu.memory_space<vmem_shared>>
    tpu.wait_indirect_dma semaphore(%arg33 : memref<!tpu.dma_semaphore, #tpu.memory_space<semaphore_mem>>) src(%arg16 : memref<80xf32, #tpu.memory_space<vmem>>) dst(%dma_wait3A_57 : memref<10240xf32, #tpu.memory_space<vmem_shared>>)
    %dma_wait3A_58 = arith.constant 0 : i32
    %dma_wait3A_59 = arith.constant 0 : i32
    %dma_wait3A_60 = tpu.memref_slice %arg11[%dma_wait3A_58, %dma_wait3A_59] : memref<125x80xi32, #tpu.memory_space<vmem>> -> memref<1x80xi32, #tpu.memory_space<vmem>>
    %dma_wait3A_61 = tpu.memref_squeeze %dma_wait3A_60 : memref<1x80xi32, #tpu.memory_space<vmem>> -> memref<80xi32, #tpu.memory_space<vmem>>
    %dma_wait3A_62 = arith.constant 0 : i32
    %dma_wait3A_63 = arith.constant 0 : i32
    %dma_wait3A_64 = tpu.memref_slice %arg20[%dma_wait3A_62, %dma_wait3A_63] : memref<10240x128xbf16, #tpu.memory_space<vmem_shared>> -> memref<10240x128xbf16, #tpu.memory_space<vmem_shared>>
    tpu.wait_indirect_dma semaphore(%arg26 : memref<!tpu.dma_semaphore, #tpu.memory_space<semaphore_mem>>) src(%arg12 : memref<80x128xbf16, #tpu.memory_space<vmem>>) dst(%dma_wait3A_64 : memref<10240x128xbf16, #tpu.memory_space<vmem_shared>>)
    %dma_wait3A_65 = arith.constant 0 : i32
    %dma_wait3A_66 = arith.constant 0 : i32
    %dma_wait3A_67 = tpu.memref_slice %arg11[%dma_wait3A_65, %dma_wait3A_66] : memref<125x80xi32, #tpu.memory_space<vmem>> -> memref<1x80xi32, #tpu.memory_space<vmem>>
    %dma_wait3A_68 = tpu.memref_squeeze %dma_wait3A_67 : memref<1x80xi32, #tpu.memory_space<vmem>> -> memref<80xi32, #tpu.memory_space<vmem>>
    %dma_wait3A_69 = arith.constant 0 : i32
    %dma_wait3A_70 = tpu.memref_slice %arg21[%dma_wait3A_69] : memref<10240xf32, #tpu.memory_space<vmem_shared>> -> memref<10240xf32, #tpu.memory_space<vmem_shared>>
    tpu.wait_indirect_dma semaphore(%arg30 : memref<!tpu.dma_semaphore, #tpu.memory_space<semaphore_mem>>) src(%arg16 : memref<80xf32, #tpu.memory_space<vmem>>) dst(%dma_wait3A_70 : memref<10240xf32, #tpu.memory_space<vmem_shared>>)
    %barrier3A_71 = arith.constant 0 : index
    tpu.barrier barrier_id(%barrier3A_71)
    %add3A_72 = arith.constant 0 : i32
    %add3A_73 = arith.addi %mul3A_2, %add3A_72 : i32
    "tpu.region"() ({
      %run_scoped3A = tpu.sem_alloc : memref<!tpu.dma_semaphore, #tpu.memory_space<semaphore_mem>>
      %dma_start3A_162 = arith.constant 0 : i32
      %dma_start3A_163 = tpu.memref_slice %arg20[%add3A_73, %dma_start3A_162] : memref<10240x128xbf16, #tpu.memory_space<vmem_shared>> -> memref<128x128xbf16, #tpu.memory_space<vmem_shared>>
      %dma_start3A_164 = arith.constant 0 : i32
      %dma_start3A_165 = tpu.memref_slice %arg20[%add3A_73, %dma_start3A_164] : memref<10240x128xbf16, #tpu.memory_space<vmem_shared>> -> memref<128x128xbf16, #tpu.memory_space<vmem_shared>>
      tpu.enqueue_dma source(%dma_start3A_165 : memref<128x128xbf16, #tpu.memory_space<vmem_shared>>) target(%arg17 : memref<128x128xbf16, #tpu.memory_space<vmem>>) target_semaphore(%run_scoped3A : memref<!tpu.dma_semaphore, #tpu.memory_space<semaphore_mem>>)
      %dma_wait3A_166 = arith.constant 0 : i32
      %dma_wait3A_167 = tpu.memref_slice %arg20[%add3A_73, %dma_wait3A_166] : memref<10240x128xbf16, #tpu.memory_space<vmem_shared>> -> memref<128x128xbf16, #tpu.memory_space<vmem_shared>>
      %dma_wait3A_168 = arith.constant 0 : i32
      %dma_wait3A_169 = tpu.memref_slice %arg20[%add3A_73, %dma_wait3A_168] : memref<10240x128xbf16, #tpu.memory_space<vmem_shared>> -> memref<128x128xbf16, #tpu.memory_space<vmem_shared>>
      tpu.wait_dma2 semaphore(%run_scoped3A : memref<!tpu.dma_semaphore, #tpu.memory_space<semaphore_mem>>) src(%dma_wait3A_169 : memref<128x128xbf16, #tpu.memory_space<vmem_shared>>) dst(%arg17 : memref<128x128xbf16, #tpu.memory_space<vmem>>)
      tpu.yield
    }) : () -> ()
    %add3A_74 = arith.constant 0 : i32
    %add3A_75 = arith.addi %mul3A_2, %add3A_74 : i32
    %dma_start3A_76 = arith.constant 0 : i32
    %dma_start3A_77 = tpu.memref_slice %arg8[%arg0, %add3A_75, %dma_start3A_76] : memref<2x10240x128xbf16, #tpu.memory_space<hbm>> -> memref<1x128x128xbf16, #tpu.memory_space<hbm>>
    %dma_start3A_78 = tpu.memref_squeeze %dma_start3A_77 : memref<1x128x128xbf16, #tpu.memory_space<hbm>> -> memref<128x128xbf16, #tpu.memory_space<hbm>>
    %dma_start3A_79 = arith.constant 0 : i32
    %dma_start3A_80 = tpu.memref_slice %arg8[%arg0, %add3A_75, %dma_start3A_79] : memref<2x10240x128xbf16, #tpu.memory_space<hbm>> -> memref<1x128x128xbf16, #tpu.memory_space<hbm>>
    %dma_start3A_81 = tpu.memref_squeeze %dma_start3A_80 : memref<1x128x128xbf16, #tpu.memory_space<hbm>> -> memref<128x128xbf16, #tpu.memory_space<hbm>>
    tpu.enqueue_dma source(%arg17 : memref<128x128xbf16, #tpu.memory_space<vmem>>) target(%dma_start3A_81 : memref<128x128xbf16, #tpu.memory_space<hbm>>) target_semaphore(%arg34 : memref<!tpu.dma_semaphore, #tpu.memory_space<semaphore_mem>>)
    %add3A_82 = arith.constant 128 : i32
    %add3A_83 = arith.addi %mul3A_2, %add3A_82 : i32
    "tpu.region"() ({
      %run_scoped3A = tpu.sem_alloc : memref<!tpu.dma_semaphore, #tpu.memory_space<semaphore_mem>>
      %dma_start3A_162 = arith.constant 0 : i32
      %dma_start3A_163 = tpu.memref_slice %arg20[%add3A_83, %dma_start3A_162] : memref<10240x128xbf16, #tpu.memory_space<vmem_shared>> -> memref<128x128xbf16, #tpu.memory_space<vmem_shared>>
      %dma_start3A_164 = arith.constant 0 : i32
      %dma_start3A_165 = tpu.memref_slice %arg20[%add3A_83, %dma_start3A_164] : memref<10240x128xbf16, #tpu.memory_space<vmem_shared>> -> memref<128x128xbf16, #tpu.memory_space<vmem_shared>>
      tpu.enqueue_dma source(%dma_start3A_165 : memref<128x128xbf16, #tpu.memory_space<vmem_shared>>) target(%arg18 : memref<128x128xbf16, #tpu.memory_space<vmem>>) target_semaphore(%run_scoped3A : memref<!tpu.dma_semaphore, #tpu.memory_space<semaphore_mem>>)
      %dma_wait3A_166 = arith.constant 0 : i32
      %dma_wait3A_167 = tpu.memref_slice %arg20[%add3A_83, %dma_wait3A_166] : memref<10240x128xbf16, #tpu.memory_space<vmem_shared>> -> memref<128x128xbf16, #tpu.memory_space<vmem_shared>>
      %dma_wait3A_168 = arith.constant 0 : i32
      %dma_wait3A_169 = tpu.memref_slice %arg20[%add3A_83, %dma_wait3A_168] : memref<10240x128xbf16, #tpu.memory_space<vmem_shared>> -> memref<128x128xbf16, #tpu.memory_space<vmem_shared>>
      tpu.wait_dma2 semaphore(%run_scoped3A : memref<!tpu.dma_semaphore, #tpu.memory_space<semaphore_mem>>) src(%dma_wait3A_169 : memref<128x128xbf16, #tpu.memory_space<vmem_shared>>) dst(%arg18 : memref<128x128xbf16, #tpu.memory_space<vmem>>)
      tpu.yield
    }) : () -> ()
    %add3A_84 = arith.constant 128 : i32
    %add3A_85 = arith.addi %mul3A_2, %add3A_84 : i32
    %dma_start3A_86 = arith.constant 0 : i32
    %dma_start3A_87 = tpu.memref_slice %arg8[%arg0, %add3A_85, %dma_start3A_86] : memref<2x10240x128xbf16, #tpu.memory_space<hbm>> -> memref<1x128x128xbf16, #tpu.memory_space<hbm>>
    %dma_start3A_88 = tpu.memref_squeeze %dma_start3A_87 : memref<1x128x128xbf16, #tpu.memory_space<hbm>> -> memref<128x128xbf16, #tpu.memory_space<hbm>>
    %dma_start3A_89 = arith.constant 0 : i32
    %dma_start3A_90 = tpu.memref_slice %arg8[%arg0, %add3A_85, %dma_start3A_89] : memref<2x10240x128xbf16, #tpu.memory_space<hbm>> -> memref<1x128x128xbf16, #tpu.memory_space<hbm>>
    %dma_start3A_91 = tpu.memref_squeeze %dma_start3A_90 : memref<1x128x128xbf16, #tpu.memory_space<hbm>> -> memref<128x128xbf16, #tpu.memory_space<hbm>>
    tpu.enqueue_dma source(%arg18 : memref<128x128xbf16, #tpu.memory_space<vmem>>) target(%dma_start3A_91 : memref<128x128xbf16, #tpu.memory_space<hbm>>) target_semaphore(%arg35 : memref<!tpu.dma_semaphore, #tpu.memory_space<semaphore_mem>>)
    %add3A_92 = arith.constant 0 : i32
    %add3A_93 = arith.addi %mul3A_2, %add3A_92 : i32
    %dma_wait3A_94 = arith.constant 0 : i32
    %dma_wait3A_95 = tpu.memref_slice %arg8[%arg0, %add3A_93, %dma_wait3A_94] : memref<2x10240x128xbf16, #tpu.memory_space<hbm>> -> memref<1x128x128xbf16, #tpu.memory_space<hbm>>
    %dma_wait3A_96 = tpu.memref_squeeze %dma_wait3A_95 : memref<1x128x128xbf16, #tpu.memory_space<hbm>> -> memref<128x128xbf16, #tpu.memory_space<hbm>>
    %dma_wait3A_97 = arith.constant 0 : i32
    %dma_wait3A_98 = tpu.memref_slice %arg8[%arg0, %add3A_93, %dma_wait3A_97] : memref<2x10240x128xbf16, #tpu.memory_space<hbm>> -> memref<1x128x128xbf16, #tpu.memory_space<hbm>>
    %dma_wait3A_99 = tpu.memref_squeeze %dma_wait3A_98 : memref<1x128x128xbf16, #tpu.memory_space<hbm>> -> memref<128x128xbf16, #tpu.memory_space<hbm>>
    tpu.wait_dma2 semaphore(%arg34 : memref<!tpu.dma_semaphore, #tpu.memory_space<semaphore_mem>>) src(%arg17 : memref<128x128xbf16, #tpu.memory_space<vmem>>) dst(%dma_wait3A_99 : memref<128x128xbf16, #tpu.memory_space<hbm>>)
    %add3A_100 = arith.constant 256 : i32
    %add3A_101 = arith.addi %mul3A_2, %add3A_100 : i32
    "tpu.region"() ({
      %run_scoped3A = tpu.sem_alloc : memref<!tpu.dma_semaphore, #tpu.memory_space<semaphore_mem>>
      %dma_start3A_162 = arith.constant 0 : i32
      %dma_start3A_163 = tpu.memref_slice %arg20[%add3A_101, %dma_start3A_162] : memref<10240x128xbf16, #tpu.memory_space<vmem_shared>> -> memref<128x128xbf16, #tpu.memory_space<vmem_shared>>
      %dma_start3A_164 = arith.constant 0 : i32
      %dma_start3A_165 = tpu.memref_slice %arg20[%add3A_101, %dma_start3A_164] : memref<10240x128xbf16, #tpu.memory_space<vmem_shared>> -> memref<128x128xbf16, #tpu.memory_space<vmem_shared>>
      tpu.enqueue_dma source(%dma_start3A_165 : memref<128x128xbf16, #tpu.memory_space<vmem_shared>>) target(%arg17 : memref<128x128xbf16, #tpu.memory_space<vmem>>) target_semaphore(%run_scoped3A : memref<!tpu.dma_semaphore, #tpu.memory_space<semaphore_mem>>)
      %dma_wait3A_166 = arith.constant 0 : i32
      %dma_wait3A_167 = tpu.memref_slice %arg20[%add3A_101, %dma_wait3A_166] : memref<10240x128xbf16, #tpu.memory_space<vmem_shared>> -> memref<128x128xbf16, #tpu.memory_space<vmem_shared>>
      %dma_wait3A_168 = arith.constant 0 : i32
      %dma_wait3A_169 = tpu.memref_slice %arg20[%add3A_101, %dma_wait3A_168] : memref<10240x128xbf16, #tpu.memory_space<vmem_shared>> -> memref<128x128xbf16, #tpu.memory_space<vmem_shared>>
      tpu.wait_dma2 semaphore(%run_scoped3A : memref<!tpu.dma_semaphore, #tpu.memory_space<semaphore_mem>>) src(%dma_wait3A_169 : memref<128x128xbf16, #tpu.memory_space<vmem_shared>>) dst(%arg17 : memref<128x128xbf16, #tpu.memory_space<vmem>>)
      tpu.yield
    }) : () -> ()
    %add3A_102 = arith.constant 256 : i32
    %add3A_103 = arith.addi %mul3A_2, %add3A_102 : i32
    %dma_start3A_104 = arith.constant 0 : i32
    %dma_start3A_105 = tpu.memref_slice %arg8[%arg0, %add3A_103, %dma_start3A_104] : memref<2x10240x128xbf16, #tpu.memory_space<hbm>> -> memref<1x128x128xbf16, #tpu.memory_space<hbm>>
    %dma_start3A_106 = tpu.memref_squeeze %dma_start3A_105 : memref<1x128x128xbf16, #tpu.memory_space<hbm>> -> memref<128x128xbf16, #tpu.memory_space<hbm>>
    %dma_start3A_107 = arith.constant 0 : i32
    %dma_start3A_108 = tpu.memref_slice %arg8[%arg0, %add3A_103, %dma_start3A_107] : memref<2x10240x128xbf16, #tpu.memory_space<hbm>> -> memref<1x128x128xbf16, #tpu.memory_space<hbm>>
    %dma_start3A_109 = tpu.memref_squeeze %dma_start3A_108 : memref<1x128x128xbf16, #tpu.memory_space<hbm>> -> memref<128x128xbf16, #tpu.memory_space<hbm>>
    tpu.enqueue_dma source(%arg17 : memref<128x128xbf16, #tpu.memory_space<vmem>>) target(%dma_start3A_109 : memref<128x128xbf16, #tpu.memory_space<hbm>>) target_semaphore(%arg34 : memref<!tpu.dma_semaphore, #tpu.memory_space<semaphore_mem>>)
    %add3A_110 = arith.constant 128 : i32
    %add3A_111 = arith.addi %mul3A_2, %add3A_110 : i32
    %dma_wait3A_112 = arith.constant 0 : i32
    %dma_wait3A_113 = tpu.memref_slice %arg8[%arg0, %add3A_111, %dma_wait3A_112] : memref<2x10240x128xbf16, #tpu.memory_space<hbm>> -> memref<1x128x128xbf16, #tpu.memory_space<hbm>>
    %dma_wait3A_114 = tpu.memref_squeeze %dma_wait3A_113 : memref<1x128x128xbf16, #tpu.memory_space<hbm>> -> memref<128x128xbf16, #tpu.memory_space<hbm>>
    %dma_wait3A_115 = arith.constant 0 : i32
    %dma_wait3A_116 = tpu.memref_slice %arg8[%arg0, %add3A_111, %dma_wait3A_115] : memref<2x10240x128xbf16, #tpu.memory_space<hbm>> -> memref<1x128x128xbf16, #tpu.memory_space<hbm>>
    %dma_wait3A_117 = tpu.memref_squeeze %dma_wait3A_116 : memref<1x128x128xbf16, #tpu.memory_space<hbm>> -> memref<128x128xbf16, #tpu.memory_space<hbm>>
    tpu.wait_dma2 semaphore(%arg35 : memref<!tpu.dma_semaphore, #tpu.memory_space<semaphore_mem>>) src(%arg18 : memref<128x128xbf16, #tpu.memory_space<vmem>>) dst(%dma_wait3A_117 : memref<128x128xbf16, #tpu.memory_space<hbm>>)
    %add3A_118 = arith.constant 384 : i32
    %add3A_119 = arith.addi %mul3A_2, %add3A_118 : i32
    "tpu.region"() ({
      %run_scoped3A = tpu.sem_alloc : memref<!tpu.dma_semaphore, #tpu.memory_space<semaphore_mem>>
      %dma_start3A_162 = arith.constant 0 : i32
      %dma_start3A_163 = tpu.memref_slice %arg20[%add3A_119, %dma_start3A_162] : memref<10240x128xbf16, #tpu.memory_space<vmem_shared>> -> memref<128x128xbf16, #tpu.memory_space<vmem_shared>>
      %dma_start3A_164 = arith.constant 0 : i32
      %dma_start3A_165 = tpu.memref_slice %arg20[%add3A_119, %dma_start3A_164] : memref<10240x128xbf16, #tpu.memory_space<vmem_shared>> -> memref<128x128xbf16, #tpu.memory_space<vmem_shared>>
      tpu.enqueue_dma source(%dma_start3A_165 : memref<128x128xbf16, #tpu.memory_space<vmem_shared>>) target(%arg18 : memref<128x128xbf16, #tpu.memory_space<vmem>>) target_semaphore(%run_scoped3A : memref<!tpu.dma_semaphore, #tpu.memory_space<semaphore_mem>>)
      %dma_wait3A_166 = arith.constant 0 : i32
      %dma_wait3A_167 = tpu.memref_slice %arg20[%add3A_119, %dma_wait3A_166] : memref<10240x128xbf16, #tpu.memory_space<vmem_shared>> -> memref<128x128xbf16, #tpu.memory_space<vmem_shared>>
      %dma_wait3A_168 = arith.constant 0 : i32
      %dma_wait3A_169 = tpu.memref_slice %arg20[%add3A_119, %dma_wait3A_168] : memref<10240x128xbf16, #tpu.memory_space<vmem_shared>> -> memref<128x128xbf16, #tpu.memory_space<vmem_shared>>
      tpu.wait_dma2 semaphore(%run_scoped3A : memref<!tpu.dma_semaphore, #tpu.memory_space<semaphore_mem>>) src(%dma_wait3A_169 : memref<128x128xbf16, #tpu.memory_space<vmem_shared>>) dst(%arg18 : memref<128x128xbf16, #tpu.memory_space<vmem>>)
      tpu.yield
    }) : () -> ()
    %add3A_120 = arith.constant 384 : i32
    %add3A_121 = arith.addi %mul3A_2, %add3A_120 : i32
    %dma_start3A_122 = arith.constant 0 : i32
    %dma_start3A_123 = tpu.memref_slice %arg8[%arg0, %add3A_121, %dma_start3A_122] : memref<2x10240x128xbf16, #tpu.memory_space<hbm>> -> memref<1x128x128xbf16, #tpu.memory_space<hbm>>
    %dma_start3A_124 = tpu.memref_squeeze %dma_start3A_123 : memref<1x128x128xbf16, #tpu.memory_space<hbm>> -> memref<128x128xbf16, #tpu.memory_space<hbm>>
    %dma_start3A_125 = arith.constant 0 : i32
    %dma_start3A_126 = tpu.memref_slice %arg8[%arg0, %add3A_121, %dma_start3A_125] : memref<2x10240x128xbf16, #tpu.memory_space<hbm>> -> memref<1x128x128xbf16, #tpu.memory_space<hbm>>
    %dma_start3A_127 = tpu.memref_squeeze %dma_start3A_126 : memref<1x128x128xbf16, #tpu.memory_space<hbm>> -> memref<128x128xbf16, #tpu.memory_space<hbm>>
    tpu.enqueue_dma source(%arg18 : memref<128x128xbf16, #tpu.memory_space<vmem>>) target(%dma_start3A_127 : memref<128x128xbf16, #tpu.memory_space<hbm>>) target_semaphore(%arg35 : memref<!tpu.dma_semaphore, #tpu.memory_space<semaphore_mem>>)
    %add3A_128 = arith.constant 256 : i32
    %add3A_129 = arith.addi %mul3A_2, %add3A_128 : i32
    %dma_wait3A_130 = arith.constant 0 : i32
    %dma_wait3A_131 = tpu.memref_slice %arg8[%arg0, %add3A_129, %dma_wait3A_130] : memref<2x10240x128xbf16, #tpu.memory_space<hbm>> -> memref<1x128x128xbf16, #tpu.memory_space<hbm>>
    %dma_wait3A_132 = tpu.memref_squeeze %dma_wait3A_131 : memref<1x128x128xbf16, #tpu.memory_space<hbm>> -> memref<128x128xbf16, #tpu.memory_space<hbm>>
    %dma_wait3A_133 = arith.constant 0 : i32
    %dma_wait3A_134 = tpu.memref_slice %arg8[%arg0, %add3A_129, %dma_wait3A_133] : memref<2x10240x128xbf16, #tpu.memory_space<hbm>> -> memref<1x128x128xbf16, #tpu.memory_space<hbm>>
    %dma_wait3A_135 = tpu.memref_squeeze %dma_wait3A_134 : memref<1x128x128xbf16, #tpu.memory_space<hbm>> -> memref<128x128xbf16, #tpu.memory_space<hbm>>
    tpu.wait_dma2 semaphore(%arg34 : memref<!tpu.dma_semaphore, #tpu.memory_space<semaphore_mem>>) src(%arg17 : memref<128x128xbf16, #tpu.memory_space<vmem>>) dst(%dma_wait3A_135 : memref<128x128xbf16, #tpu.memory_space<hbm>>)
    %add3A_136 = arith.constant 512 : i32
    %add3A_137 = arith.addi %mul3A_2, %add3A_136 : i32
    "tpu.region"() ({
      %run_scoped3A = tpu.sem_alloc : memref<!tpu.dma_semaphore, #tpu.memory_space<semaphore_mem>>
      %dma_start3A_162 = arith.constant 0 : i32
      %dma_start3A_163 = tpu.memref_slice %arg20[%add3A_137, %dma_start3A_162] : memref<10240x128xbf16, #tpu.memory_space<vmem_shared>> -> memref<128x128xbf16, #tpu.memory_space<vmem_shared>>
      %dma_start3A_164 = arith.constant 0 : i32
      %dma_start3A_165 = tpu.memref_slice %arg20[%add3A_137, %dma_start3A_164] : memref<10240x128xbf16, #tpu.memory_space<vmem_shared>> -> memref<128x128xbf16, #tpu.memory_space<vmem_shared>>
      tpu.enqueue_dma source(%dma_start3A_165 : memref<128x128xbf16, #tpu.memory_space<vmem_shared>>) target(%arg17 : memref<128x128xbf16, #tpu.memory_space<vmem>>) target_semaphore(%run_scoped3A : memref<!tpu.dma_semaphore, #tpu.memory_space<semaphore_mem>>)
      %dma_wait3A_166 = arith.constant 0 : i32
      %dma_wait3A_167 = tpu.memref_slice %arg20[%add3A_137, %dma_wait3A_166] : memref<10240x128xbf16, #tpu.memory_space<vmem_shared>> -> memref<128x128xbf16, #tpu.memory_space<vmem_shared>>
      %dma_wait3A_168 = arith.constant 0 : i32
      %dma_wait3A_169 = tpu.memref_slice %arg20[%add3A_137, %dma_wait3A_168] : memref<10240x128xbf16, #tpu.memory_space<vmem_shared>> -> memref<128x128xbf16, #tpu.memory_space<vmem_shared>>
      tpu.wait_dma2 semaphore(%run_scoped3A : memref<!tpu.dma_semaphore, #tpu.memory_space<semaphore_mem>>) src(%dma_wait3A_169 : memref<128x128xbf16, #tpu.memory_space<vmem_shared>>) dst(%arg17 : memref<128x128xbf16, #tpu.memory_space<vmem>>)
      tpu.yield
    }) : () -> ()
    %add3A_138 = arith.constant 512 : i32
    %add3A_139 = arith.addi %mul3A_2, %add3A_138 : i32
    %dma_start3A_140 = arith.constant 0 : i32
    %dma_start3A_141 = tpu.memref_slice %arg8[%arg0, %add3A_139, %dma_start3A_140] : memref<2x10240x128xbf16, #tpu.memory_space<hbm>> -> memref<1x128x128xbf16, #tpu.memory_space<hbm>>
    %dma_start3A_142 = tpu.memref_squeeze %dma_start3A_141 : memref<1x128x128xbf16, #tpu.memory_space<hbm>> -> memref<128x128xbf16, #tpu.memory_space<hbm>>
    %dma_start3A_143 = arith.constant 0 : i32
    %dma_start3A_144 = tpu.memref_slice %arg8[%arg0, %add3A_139, %dma_start3A_143] : memref<2x10240x128xbf16, #tpu.memory_space<hbm>> -> memref<1x128x128xbf16, #tpu.memory_space<hbm>>
    %dma_start3A_145 = tpu.memref_squeeze %dma_start3A_144 : memref<1x128x128xbf16, #tpu.memory_space<hbm>> -> memref<128x128xbf16, #tpu.memory_space<hbm>>
    tpu.enqueue_dma source(%arg17 : memref<128x128xbf16, #tpu.memory_space<vmem>>) target(%dma_start3A_145 : memref<128x128xbf16, #tpu.memory_space<hbm>>) target_semaphore(%arg34 : memref<!tpu.dma_semaphore, #tpu.memory_space<semaphore_mem>>)
    "tpu.region"() ({
      %run_scoped3A = tpu.sem_alloc : memref<!tpu.dma_semaphore, #tpu.memory_space<semaphore_mem>>
      %dma_start3A_162 = tpu.memref_slice %arg21[%mul3A_2] : memref<10240xf32, #tpu.memory_space<vmem_shared>> -> memref<640xf32, #tpu.memory_space<vmem_shared>>
      %dma_start3A_163 = tpu.memref_slice %arg21[%mul3A_2] : memref<10240xf32, #tpu.memory_space<vmem_shared>> -> memref<640xf32, #tpu.memory_space<vmem_shared>>
      tpu.enqueue_dma source(%dma_start3A_163 : memref<640xf32, #tpu.memory_space<vmem_shared>>) target(%arg19 : memref<640xf32, #tpu.memory_space<vmem>>) target_semaphore(%run_scoped3A : memref<!tpu.dma_semaphore, #tpu.memory_space<semaphore_mem>>)
      %dma_wait3A_164 = tpu.memref_slice %arg21[%mul3A_2] : memref<10240xf32, #tpu.memory_space<vmem_shared>> -> memref<640xf32, #tpu.memory_space<vmem_shared>>
      %dma_wait3A_165 = tpu.memref_slice %arg21[%mul3A_2] : memref<10240xf32, #tpu.memory_space<vmem_shared>> -> memref<640xf32, #tpu.memory_space<vmem_shared>>
      tpu.wait_dma2 semaphore(%run_scoped3A : memref<!tpu.dma_semaphore, #tpu.memory_space<semaphore_mem>>) src(%dma_wait3A_165 : memref<640xf32, #tpu.memory_space<vmem_shared>>) dst(%arg19 : memref<640xf32, #tpu.memory_space<vmem>>)
      tpu.yield
    }) : () -> ()
    "tpu.region"() ({
      %run_scoped3A = tpu.sem_alloc : memref<!tpu.dma_semaphore, #tpu.memory_space<semaphore_mem>>
      %dma_start3A_162 = tpu.memref_slice %arg9[%arg0, %mul3A_2] : memref<2x10240xf32, #tpu.memory_space<hbm>> -> memref<1x640xf32, #tpu.memory_space<hbm>>
      %dma_start3A_163 = tpu.memref_squeeze %dma_start3A_162 : memref<1x640xf32, #tpu.memory_space<hbm>> -> memref<640xf32, #tpu.memory_space<hbm>>
      %dma_start3A_164 = tpu.memref_slice %arg9[%arg0, %mul3A_2] : memref<2x10240xf32, #tpu.memory_space<hbm>> -> memref<1x640xf32, #tpu.memory_space<hbm>>
      %dma_start3A_165 = tpu.memref_squeeze %dma_start3A_164 : memref<1x640xf32, #tpu.memory_space<hbm>> -> memref<640xf32, #tpu.memory_space<hbm>>
      tpu.enqueue_dma source(%arg19 : memref<640xf32, #tpu.memory_space<vmem>>) target(%dma_start3A_165 : memref<640xf32, #tpu.memory_space<hbm>>) target_semaphore(%run_scoped3A : memref<!tpu.dma_semaphore, #tpu.memory_space<semaphore_mem>>)
      %dma_wait3A_166 = tpu.memref_slice %arg9[%arg0, %mul3A_2] : memref<2x10240xf32, #tpu.memory_space<hbm>> -> memref<1x640xf32, #tpu.memory_space<hbm>>
      %dma_wait3A_167 = tpu.memref_squeeze %dma_wait3A_166 : memref<1x640xf32, #tpu.memory_space<hbm>> -> memref<640xf32, #tpu.memory_space<hbm>>
      %dma_wait3A_168 = tpu.memref_slice %arg9[%arg0, %mul3A_2] : memref<2x10240xf32, #tpu.memory_space<hbm>> -> memref<1x640xf32, #tpu.memory_space<hbm>>
      %dma_wait3A_169 = tpu.memref_squeeze %dma_wait3A_168 : memref<1x640xf32, #tpu.memory_space<hbm>> -> memref<640xf32, #tpu.memory_space<hbm>>
      tpu.wait_dma2 semaphore(%run_scoped3A : memref<!tpu.dma_semaphore, #tpu.memory_space<semaphore_mem>>) src(%arg19 : memref<640xf32, #tpu.memory_space<vmem>>) dst(%dma_wait3A_169 : memref<640xf32, #tpu.memory_space<hbm>>)
      tpu.yield
    }) : () -> ()
    %add3A_146 = arith.constant 384 : i32
    %add3A_147 = arith.addi %mul3A_2, %add3A_146 : i32
    %dma_wait3A_148 = arith.constant 0 : i32
    %dma_wait3A_149 = tpu.memref_slice %arg8[%arg0, %add3A_147, %dma_wait3A_148] : memref<2x10240x128xbf16, #tpu.memory_space<hbm>> -> memref<1x128x128xbf16, #tpu.memory_space<hbm>>
    %dma_wait3A_150 = tpu.memref_squeeze %dma_wait3A_149 : memref<1x128x128xbf16, #tpu.memory_space<hbm>> -> memref<128x128xbf16, #tpu.memory_space<hbm>>
    %dma_wait3A_151 = arith.constant 0 : i32
    %dma_wait3A_152 = tpu.memref_slice %arg8[%arg0, %add3A_147, %dma_wait3A_151] : memref<2x10240x128xbf16, #tpu.memory_space<hbm>> -> memref<1x128x128xbf16, #tpu.memory_space<hbm>>
    %dma_wait3A_153 = tpu.memref_squeeze %dma_wait3A_152 : memref<1x128x128xbf16, #tpu.memory_space<hbm>> -> memref<128x128xbf16, #tpu.memory_space<hbm>>
    tpu.wait_dma2 semaphore(%arg35 : memref<!tpu.dma_semaphore, #tpu.memory_space<semaphore_mem>>) src(%arg18 : memref<128x128xbf16, #tpu.memory_space<vmem>>) dst(%dma_wait3A_153 : memref<128x128xbf16, #tpu.memory_space<hbm>>)
    %add3A_154 = arith.constant 512 : i32
    %add3A_155 = arith.addi %mul3A_2, %add3A_154 : i32
    %dma_wait3A_156 = arith.constant 0 : i32
    %dma_wait3A_157 = tpu.memref_slice %arg8[%arg0, %add3A_155, %dma_wait3A_156] : memref<2x10240x128xbf16, #tpu.memory_space<hbm>> -> memref<1x128x128xbf16, #tpu.memory_space<hbm>>
    %dma_wait3A_158 = tpu.memref_squeeze %dma_wait3A_157 : memref<1x128x128xbf16, #tpu.memory_space<hbm>> -> memref<128x128xbf16, #tpu.memory_space<hbm>>
    %dma_wait3A_159 = arith.constant 0 : i32
    %dma_wait3A_160 = tpu.memref_slice %arg8[%arg0, %add3A_155, %dma_wait3A_159] : memref<2x10240x128xbf16, #tpu.memory_space<hbm>> -> memref<1x128x128xbf16, #tpu.memory_space<hbm>>
    %dma_wait3A_161 = tpu.memref_squeeze %dma_wait3A_160 : memref<1x128x128xbf16, #tpu.memory_space<hbm>> -> memref<128x128xbf16, #tpu.memory_space<hbm>>
    tpu.wait_dma2 semaphore(%arg34 : memref<!tpu.dma_semaphore, #tpu.memory_space<semaphore_mem>>) src(%arg17 : memref<128x128xbf16, #tpu.memory_space<vmem>>) dst(%dma_wait3A_161 : memref<128x128xbf16, #tpu.memory_space<hbm>>)
    return
  }
}

module attributes {stable_mosaic.version = 14 : i64} {
  func.func @_tc_finish_body(%arg0: memref<2x10240x128xbf16, #tpu.memory_space<vmem>>, %arg1: memref<2x10240xf32, #tpu.memory_space<vmem>>, %arg2: memref<10000x128xf32, #tpu.memory_space<vmem>>, %arg3: memref<128x128xf32, #tpu.memory_space<vmem>>, %arg4: memref<128xf32, #tpu.memory_space<vmem>>, %arg5: memref<128x128xf32, #tpu.memory_space<vmem>>, %arg6: memref<128xf32, #tpu.memory_space<vmem>>, %arg7: memref<128xf32, #tpu.memory_space<vmem>>, %arg8: memref<10000x128xf32, #tpu.memory_space<vmem>>) attributes {dimension_semantics = [], scalar_prefetch = 0 : i64, scratch_operands = 0 : i64, tpu.core_type = #tpu.core_type<tc>} {
    %get3A = arith.constant 0 : index
    %get3A_0 = arith.constant 0 : index
    %get3A_1 = arith.constant 0 : index
    %get3A_2 = vector.load %arg0[%get3A, %get3A_0, %get3A_1] : memref<2x10240x128xbf16, #tpu.memory_space<vmem>>, vector<1x10000x128xbf16>
    %get3A_3 = vector.shape_cast %get3A_2 : vector<1x10000x128xbf16> to vector<10000x128xbf16>
    %convert_element_type3A = arith.extf %get3A_3 : vector<10000x128xbf16> to vector<10000x128xf32>
    %get3A_4 = arith.constant 1 : index
    %get3A_5 = arith.constant 0 : index
    %get3A_6 = arith.constant 0 : index
    %get3A_7 = vector.load %arg0[%get3A_4, %get3A_5, %get3A_6] : memref<2x10240x128xbf16, #tpu.memory_space<vmem>>, vector<1x10000x128xbf16>
    %get3A_8 = vector.shape_cast %get3A_7 : vector<1x10000x128xbf16> to vector<10000x128xbf16>
    %convert_element_type3A_9 = arith.extf %get3A_8 : vector<10000x128xbf16> to vector<10000x128xf32>
    %add3A = arith.addf %convert_element_type3A, %convert_element_type3A_9 : vector<10000x128xf32>
    %get3A_10 = arith.constant 0 : index
    %get3A_11 = arith.constant 0 : index
    %get3A_12 = vector.load %arg1[%get3A_10, %get3A_11] : memref<2x10240xf32, #tpu.memory_space<vmem>>, vector<1x10000xf32>
    %get3A_13 = vector.shape_cast %get3A_12 : vector<1x10000xf32> to vector<10000xf32>
    %get3A_14 = arith.constant 1 : index
    %get3A_15 = arith.constant 0 : index
    %get3A_16 = vector.load %arg1[%get3A_14, %get3A_15] : memref<2x10240xf32, #tpu.memory_space<vmem>>, vector<1x10000xf32>
    %get3A_17 = vector.shape_cast %get3A_16 : vector<1x10000xf32> to vector<10000xf32>
    %add3A_18 = arith.addf %get3A_13, %get3A_17 : vector<10000xf32>
    %jit3A = arith.constant 1.000000e+00 : f32
    %max3A = vector.broadcast %jit3A : f32 to vector<10000xf32>
    %max3A_19 = arith.maximumf %max3A, %add3A_18 : vector<10000xf32>
    %broadcast_in_dim3A = vector.shape_cast %max3A_19 : vector<10000xf32> to vector<10000x1xf32>
    %div3A = vector.broadcast %broadcast_in_dim3A : vector<10000x1xf32> to vector<10000x128xf32>
    %div3A_20 = arith.divf %add3A, %div3A : vector<10000x128xf32>
    %get3A_21 = arith.constant 0 : index
    %get3A_22 = arith.constant 0 : index
    %get3A_23 = vector.load %arg3[%get3A_21, %get3A_22] : memref<128x128xf32, #tpu.memory_space<vmem>>, vector<128x128xf32>
    %transpose3A = tpu.transpose %get3A_23, [1, 0] : vector<128x128xf32> -> vector<128x128xf32>
    %dot_general3A = arith.constant dense<0.000000e+00> : vector<10000x128xf32>
    %dot_general3A_24 = tpu.matmul %div3A_20, %transpose3A, %dot_general3A {dimension_numbers = #tpu.dot_dimension_numbers<[1], [0], [0], [1], [0, 0, 1, 1], [], []>, transpose_lhs_hint = false} : vector<10000x128xf32>, vector<128x128xf32>, vector<10000x128xf32> -> vector<10000x128xf32>
    %get3A_25 = arith.constant 0 : index
    %get3A_26 = vector.load %arg4[%get3A_25] : memref<128xf32, #tpu.memory_space<vmem>>, vector<128xf32>
    %broadcast_in_dim3A_27 = vector.shape_cast %get3A_26 : vector<128xf32> to vector<1x128xf32>
    %add3A_28 = vector.broadcast %broadcast_in_dim3A_27 : vector<1x128xf32> to vector<10000x128xf32>
    %add3A_29 = arith.addf %dot_general3A_24, %add3A_28 : vector<10000x128xf32>
    %get3A_30 = arith.constant 0 : index
    %get3A_31 = arith.constant 0 : index
    %get3A_32 = vector.load %arg2[%get3A_30, %get3A_31] : memref<10000x128xf32, #tpu.memory_space<vmem>>, vector<10000x128xf32>
    %get3A_33 = arith.constant 0 : index
    %get3A_34 = arith.constant 0 : index
    %get3A_35 = vector.load %arg5[%get3A_33, %get3A_34] : memref<128x128xf32, #tpu.memory_space<vmem>>, vector<128x128xf32>
    %transpose3A_36 = tpu.transpose %get3A_35, [1, 0] : vector<128x128xf32> -> vector<128x128xf32>
    %dot_general3A_37 = arith.constant dense<0.000000e+00> : vector<10000x128xf32>
    %dot_general3A_38 = tpu.matmul %get3A_32, %transpose3A_36, %dot_general3A_37 {dimension_numbers = #tpu.dot_dimension_numbers<[1], [0], [0], [1], [0, 0, 1, 1], [], []>, transpose_lhs_hint = false} : vector<10000x128xf32>, vector<128x128xf32>, vector<10000x128xf32> -> vector<10000x128xf32>
    %add3A_39 = arith.addf %add3A_29, %dot_general3A_38 : vector<10000x128xf32>
    %max3A_40 = arith.constant 0.000000e+00 : f32
    %max3A_41 = vector.broadcast %max3A_40 : f32 to vector<10000x128xf32>
    %max3A_42 = arith.maximumf %add3A_39, %max3A_41 : vector<10000x128xf32>
    %reduce_sum3A = arith.constant dense<0.000000e+00> : vector<128xf32>
    %reduce_sum3A_43 = vector.multi_reduction <add>, %max3A_42, %reduce_sum3A [0] : vector<10000x128xf32> to vector<128xf32>
    %div3A_44 = arith.constant 1.000000e+04 : f32
    %div3A_45 = vector.broadcast %div3A_44 : f32 to vector<128xf32>
    %div3A_46 = arith.divf %reduce_sum3A_43, %div3A_45 : vector<128xf32>
    %broadcast_in_dim3A_47 = vector.shape_cast %div3A_46 : vector<128xf32> to vector<1x128xf32>
    %sub3A = vector.broadcast %broadcast_in_dim3A_47 : vector<1x128xf32> to vector<10000x128xf32>
    %sub3A_48 = arith.subf %max3A_42, %sub3A : vector<10000x128xf32>
    %integer_pow3A = arith.mulf %sub3A_48, %sub3A_48 : vector<10000x128xf32>
    %reduce_sum3A_49 = arith.constant dense<0.000000e+00> : vector<128xf32>
    %reduce_sum3A_50 = vector.multi_reduction <add>, %integer_pow3A, %reduce_sum3A_49 [0] : vector<10000x128xf32> to vector<128xf32>
    %div3A_51 = arith.constant 1.000000e+04 : f32
    %div3A_52 = vector.broadcast %div3A_51 : f32 to vector<128xf32>
    %div3A_53 = arith.divf %reduce_sum3A_50, %div3A_52 : vector<128xf32>
    %broadcast_in_dim3A_54 = vector.shape_cast %div3A_46 : vector<128xf32> to vector<1x128xf32>
    %sub3A_55 = vector.broadcast %broadcast_in_dim3A_54 : vector<1x128xf32> to vector<10000x128xf32>
    %sub3A_56 = arith.subf %max3A_42, %sub3A_55 : vector<10000x128xf32>
    %add3A_57 = arith.constant 9.99999974E-6 : f32
    %add3A_58 = vector.broadcast %add3A_57 : f32 to vector<128xf32>
    %add3A_59 = arith.addf %div3A_53, %add3A_58 : vector<128xf32>
    %rsqrt3A = math.rsqrt %add3A_59 : vector<128xf32>
    %broadcast_in_dim3A_60 = vector.shape_cast %rsqrt3A : vector<128xf32> to vector<1x128xf32>
    %mul3A = vector.broadcast %broadcast_in_dim3A_60 : vector<1x128xf32> to vector<10000x128xf32>
    %mul3A_61 = arith.mulf %sub3A_56, %mul3A : vector<10000x128xf32>
    %get3A_62 = arith.constant 0 : index
    %get3A_63 = vector.load %arg6[%get3A_62] : memref<128xf32, #tpu.memory_space<vmem>>, vector<128xf32>
    %broadcast_in_dim3A_64 = vector.shape_cast %get3A_63 : vector<128xf32> to vector<1x128xf32>
    %mul3A_65 = vector.broadcast %broadcast_in_dim3A_64 : vector<1x128xf32> to vector<10000x128xf32>
    %mul3A_66 = arith.mulf %mul3A_61, %mul3A_65 : vector<10000x128xf32>
    %get3A_67 = arith.constant 0 : index
    %get3A_68 = vector.load %arg7[%get3A_67] : memref<128xf32, #tpu.memory_space<vmem>>, vector<128xf32>
    %broadcast_in_dim3A_69 = vector.shape_cast %get3A_68 : vector<128xf32> to vector<1x128xf32>
    %add3A_70 = vector.broadcast %broadcast_in_dim3A_69 : vector<1x128xf32> to vector<10000x128xf32>
    %add3A_71 = arith.addf %mul3A_66, %add3A_70 : vector<10000x128xf32>
    %swap3A = arith.constant 0 : index
    %swap3A_72 = arith.constant 0 : index
    %swap3A_73 = vector.load %arg8[%swap3A, %swap3A_72] : memref<10000x128xf32, #tpu.memory_space<vmem>>, vector<10000x128xf32>
    tpu.vector_store %arg8[%swap3A, %swap3A_72], %add3A_71 {strides = array<i32>} : memref<10000x128xf32, #tpu.memory_space<vmem>>, vector<10000x128xf32>,
    return
  }
}

</mosaic_0001>

<sc_bundles>
// kernel: kernel.4.cloned.1.call-start
scs
__scs_entry_jumppad:
0x0: {  	(pc) =	sbr.rel $0x88, $3  }
0x1: {  	(tag) =	ssettag $0x0;
	lr =	simm.s32 $0x1  }
0x2: {  	[smem:$0x3F9A] =	sst lr;
	_ =	strace $0xD0000000  }
0x3: {  	_ = 	snop  }
0x4: {  	_ = 	snop  }
0x5: {  	_ = 	snop  }
0x6: {  	_ = 	snop  }
0x7: {  	_ = 	snop  }
__scs_overlays_trampoline_lowered:
0x8: {  	[smem:$0x3FA9] =	sst s0  }
0x9: {  	[smem:$0x3FAA] =	sst s1  }
0xa: {  	[smem:$0x3FAB] =	sst s2  }
0xb: {  	[smem:$0x3FAC] =	sst s3  }
0xc: {  	[smem:$0x3FAD] =	sst s4  }
0xd: {  	[smem:$0x3FAE] =	sst s5  }
0xe: {  	[smem:$0x3FAF] =	sst s6  }
0xf: {  	[smem:$0x3FB0] =	sst s7  }
0x10: {  	[smem:$0x3FB1] =	sst s8  }
0x11: {  	[smem:$0x3FB2] =	sst s9;
	s0 =	simm.s32 @!p0 $0x0  }
0x12: {  	s1 =	sld [smem:$0x3F98];
	s0 =	simm.s32 @p0 $0x1  }
0x13: {  	[smem:$0x3FB3] =	sst s0;
	s0 =	simm.s32 @!p1 $0x0  }
0x14: {  	s2 =	sld [smem:$0x3F97];
	s0 =	simm.s32 @p1 $0x1  }
0x15: {  	[smem:$0x3FB4] =	sst s0;
	s0 =	simm.s32 @!p2 $0x0  }
0x16: {  	s3 =	sld [smem:$0x3FDB];
	s0 =	simm.s32 @p2 $0x1  }
0x17: {  	s4 =	simm.s32 $0x1BF5;
	[smem:$0x3FB6] =	sst s0  }
0x18: {  	s0 =	sld [smem:$0x3F99];
	_ =	swait.ge [sflag:s4], $0x0  }
0x19: {  	s7 =	sld [smem:$0x3F9A]  }
0x1a: {  	s8 =	sadd.s32 $0xFFFFE003, lr  }
0x1b: {  	s9 =	sadd.s32 $0xFFFFFEF7, lr;
	s5 =	simm.s32 $0xFFFFFFFF;
	p2 =	slt.u32 s8, $0xFFFFF086  }
0x1c: {  	p1 =	slt.u32 s9, $0xF7A;
	s5 =	simm.s32 @!p2 $0x0  }
0x1d: {  	s5 =	simm.s32 @p1 $0x1;
	p0 =	seq.s32 s7, s2  }
0x1e: {  	s7 =	smul.u32 @!p0 $0xF7A, s2;
	p2 =	seq.s32 @!p0 s5, $0x0  }
0x1f: {  	s9 =	smul.u32 $0xF7A, s1;
	s8 =	simm.s32 @!p0 $0x1BF5;
	p2 =	por !p2, p0  }
0x20: {  	[sflag:s8] =	ssyncset.s32 @!p0 $0xFFFFF086;
	s6 =	sadd.s32 @!p0 s3, s7;
	s7 =	simm.s32 @!p0 $0x108  }
0x21: {  	s3 =	sadd.s32 s3, s9;
	s6 =	sadd.s32 @!p0 $0x88, s6;
	s7 =	simm.s32 @p2 $0x1082  }
0x22: {  	[simem:s7], [sflag:s8] =	dma.local @!p0 [hbm:s6], $0xF7A  }
0x23: {  	s9 =	sor.u32 $0xD0000000, s2;
	s6 =	simm.s32 $0x108;
	_ =	swait.ge @!p0 [sflag:s8], $0x0  }
0x24: {  	s3 =	sadd.s32 $0x88, s3;
	s6 =	simm.s32 @!p1 $0x1082;
	[sflag:s4] =	ssyncset.s32 $0xFFFFF086  }
0x25: {  	[simem:s6], [sflag:s4] =	dma.local [hbm:s3], $0xF7A  }
0x26: {  	[smem:$0x3F9A] =	sst s1;
	(tag) =	ssettag s2;
	_ =	strace s9  }
0x27: {  	s1 =	sld [smem:$0x3FAA]  }
0x28: {  	s2 =	sld [smem:$0x3FAB]  }
0x29: {  	s4 =	sld [smem:$0x3FAD]  }
0x2a: {  	p0 =	seq.s32 s5, $0x0;
	s5 =	sld [smem:$0x3FAE]  }
0x2b: {  	s6 =	sld [smem:$0x3FAF]  }
0x2c: {  	s7 =	sld [smem:$0x3FB0]  }
0x2d: {  	s3 =	simm.s32 $0x108;
	s8 =	sld [smem:$0x3FB1]  }
0x2e: {  	s3 =	simm.s32 @!p0 $0x1082;
	s9 =	sld [smem:$0x3FB2]  }
0x2f: {  	lr =	sadd.s32 s0, s3;
	s0 =	sld [smem:$0x3FA9]  }
0x30: {  	s3 =	sld [smem:$0x3FAC]  }
0x31: {  	[smem:$0x3FB5] =	sst s10  }
0x32: {  	s10 =	sld [smem:$0x3FB3];
	_ =	sdelay $0x3  }
0x33: {  	p0 =	seq.s32 s10, $0x1;
	s10 =	sld [smem:$0x3FB5];
	_ =	sdelay $0x3  }
0x34: {  	[smem:$0x3FB5] =	sst s10  }
0x35: {  	s10 =	sld [smem:$0x3FB4];
	_ =	sdelay $0x3  }
0x36: {  	p1 =	seq.s32 s10, $0x1;
	s10 =	sld [smem:$0x3FB5];
	_ =	sdelay $0x3  }
0x37: {  	[smem:$0x3FB5] =	sst s10  }
0x38: {  	s10 =	sld [smem:$0x3FB6]  }
0x39: {  	_ = 	snop;
	(pc) =	sbr.ind lr, $3  }
0x3a: {  	_ = 	snop  }
0x3b: {  	_ = 	snop  }
0x3c: {  	p2 =	seq.s32 s10, $0x1;
	s10 =	sld [smem:$0x3FB5]  }
0x3d: {  	_ =	shalt  }
0x3e: {  	_ =	shalt  }
0x3f: {  	_ =	shalt  }
0x40: {  	_ =	shalt  }
0x41: {  	_ =	shalt  }
0x42: {  	_ =	shalt  }
0x43: {  	_ =	shalt  }
0x44: {  	_ =	shalt  }
0x45: {  	_ =	shalt  }
0x46: {  	_ =	shalt  }
0x47: {  	_ =	shalt  }
0x48: {  	_ =	shalt  }
0x49: {  	_ =	shalt  }
0x4a: {  	_ =	shalt  }
0x4b: {  	_ =	shalt  }
0x4c: {  	_ =	shalt  }
0x4d: {  	_ =	shalt  }
0x4e: {  	_ =	shalt  }
0x4f: {  	_ =	shalt  }
0x50: {  	_ =	shalt  }
0x51: {  	_ =	shalt  }
0x52: {  	_ =	shalt  }
0x53: {  	_ =	shalt  }
0x54: {  	_ =	shalt  }
0x55: {  	_ =	shalt  }
0x56: {  	_ =	shalt  }
0x57: {  	_ =	shalt  }
0x58: {  	_ =	shalt  }
0x59: {  	_ =	shalt  }
0x5a: {  	_ =	shalt  }
0x5b: {  	_ =	shalt  }
0x5c: {  	_ =	shalt  }
0x5d: {  	_ =	shalt  }
0x5e: {  	_ =	shalt  }
0x5f: {  	_ =	shalt  }
0x60: {  	_ =	shalt  }
0x61: {  	_ =	shalt  }
0x62: {  	_ =	shalt  }
0x63: {  	_ =	shalt  }
0x64: {  	_ =	shalt  }
0x65: {  	_ =	shalt  }
0x66: {  	_ =	shalt  }
0x67: {  	_ =	shalt  }
0x68: {  	_ =	shalt  }
0x69: {  	_ =	shalt  }
0x6a: {  	_ =	shalt  }
0x6b: {  	_ =	shalt  }
0x6c: {  	_ =	shalt  }
0x6d: {  	_ =	shalt  }
0x6e: {  	_ =	shalt  }
0x6f: {  	_ =	shalt  }
0x70: {  	_ =	shalt  }
0x71: {  	_ =	shalt  }
0x72: {  	_ =	shalt  }
0x73: {  	_ =	shalt  }
0x74: {  	_ =	shalt  }
0x75: {  	_ =	shalt  }
0x76: {  	_ =	shalt  }
0x77: {  	_ =	shalt  }
0x78: {  	_ =	shalt  }
0x79: {  	_ =	shalt  }
0x7a: {  	_ =	shalt  }
0x7b: {  	_ =	shalt  }
0x7c: {  	_ =	shalt  }
0x7d: {  	_ =	shalt  }
0x7e: {  	_ =	shalt  }
0x7f: {  	_ =	shalt  }
0x80: {  	_ =	shalt  }
0x81: {  	_ =	shalt  }
0x82: {  	_ =	shalt  }
0x83: {  	_ =	shalt  }
0x84: {  	_ =	shalt  }
0x85: {  	_ =	shalt  }
0x86: {  	_ =	shalt  }
0x87: {  	_ =	shalt  }
.Lfunc_end0:
.L_simem_size_0:
called_computation_lowered:
.L_overlay_start_0:
0x88: {  	s2 =	sld [smem:$0x3FD9]  }
0x89: {  	s3 =	sld [smem:$0x3FFE];
	_ =	sdelay $0x1  }
0x8a: {  	s1 =	srdreg.scid  }
0x8b: {  	s0 =	sand.u32 $0x1, s1  }
0x8c: {  	s17 =	sshll.u32 s0, $0xA;
	s2 =	sadd.s32 s3, s2  }
0x8d: {  	s2 =	sadd.s32 s2, s17  }
0x8e: {  	[smem:$0x3FC1] =	sst s2  }
0x8f: {  	_ = 	snop  }
0x90: {  	s2 =	sld [smem:$0x3FD0];
	(tm) =	ssettm $0x1  }
0x91: {  	s18 =	sld [smem:$0x3FFB];
	_ =	sdelay $0x3  }
0x92: {  	_ =	strace s18  }
0x93: {  	s3 =	sld [smem:$0x3FFC];
	_ =	sdelay $0x3  }
0x94: {  	_ =	strace s3  }
0x95: {  	s3 =	sld [smem:$0x3FFD];
	_ =	sdelay $0x3  }
0x96: {  	_ =	strace s3  }
0x97: {  	_ =	strace $0x8FFFFFFF  }
0x98: {  	s19 =	sld [smem:$0x3FDB];
	_ =	sdelay $0x1  }
0x99: {  	s4 =	simm.s32 $_scs_section_size  }
0x9a: {  	s5 =	simm.s32 $_size__tile_overlayer_lowered;
	s6 =	simm.s32 $_tile_overlayer_lowered  }
0x9b: {  	s22 =	simm.s32 $0x1BFF;
	s21 =	sshll.u32 s6, $0x1;
	s3 =	sadd.s32 s4, s19  }
0x9c: {  	s7 =	simm.s32 $0x0;
	s20 =	sshll.u32 s5, $0x1;
	s5 =	sadd.s32 s21, s3  }
0x9d: {  	[timem:s7], [sflag:s22] =	dma.local [hbm:s5], s20  }
0x9e: {  	_ =	swait.ge [sflag:s22], s20  }
0x9f: {  	s4 =	ssub.s32 $0x0, s20;
	[sflag:s22] =	ssyncset.done $0x0  }
0xa0: {  	[sflag:s22] =	ssyncadd.s32 s4;
	_ =	sdelay $0x1  }
0xa1: {  	s23 =	simm.s32 $0x1B8B  }
0xa2: {  	_ =	swait.ge [sflag:s23], $0x1  }
0xa3: {  	[sflag:s23] =	ssyncset.done $0x0  }
0xa4: {  	s25 =	simm.s32 $0x1B8E;
	s24 =	sld [smem:$0x3FFE];
	[sflag:s23] =	ssyncadd.s32 $0xFFFFFFFF  }
0xa5: {  	s26 =	simm.s32 $execute0_lowered;
	[smem:$0x3FD2] =	sst s25  }
0xa6: {  	s5 =	sshll.u32 s26, $0x1;
	_ =	strace $0x80000046;
	[dreg:$0x1] =	wrdreg $0xFFFFFFFF  }
0xa7: {  	s28 =	simm.s32 $_size_execute0_lowered;
	s3 =	sadd.s32 s3, s5;
	[dreg:$0x0] =	wrdreg $0x0  }
0xa8: {  	s5 =	sshll.u32 s28, $0x1;
	[dreg:$0x2] =	wrdreg s3  }
0xa9: {  	[dreg:$0x3] =	wrdreg s5  }
0xaa: {  	[dreg:$0x4] =	wrdreg $0xC0  }
0xab: {  	_ =	task [dreg:s7], $0x5FFFF  }
0xac: {  	[dreg:$0x1] =	wrdreg $0xFFFFFFFF  }
0xad: {  	[dreg:$0x0] =	wrdreg $0x60  }
0xae: {  	[dreg:$0x2] =	wrdreg s2  }
0xaf: {  	[dreg:$0x3] =	wrdreg s24  }
0xb0: {  	[dreg:$0x4] =	wrdreg $0xE0F00  }
0xb1: {  	[dreg:$0x5] =	wrdreg $0x180F00  }
0xb2: {  	[dreg:$0x6] =	wrdreg $0x9  }
0xb3: {  	_ =	task.clear_ibuf [dreg:s7], $0x7FFFF;
	_ =	strace $0x90000046  }
0xb4: {  	s29 =	simm.s32 $0x9;
	_ =	strace $0x80000048  }
0xb5: {  	_ =	swait.ge [sflag:s29], $0x1  }
0xb6: {  	[sflag:s29] =	ssyncadd.s32 $0xFFFFFFFF  }
0xb7: {  	_ =	strace $0x90000048  }
0xb8: {  	_ =	sfence  }
0xb9: {  	s30 =	sld [smem:$0x0];
	_ =	sdelay $0x2  }
0xba: {  	s31 =	sshll.u32 s1, $0xD;
	s1 =	sshrl.u32 s1, $0x2  }
0xbb: {  	s3 =	sand.u32 $0x4000, s31;
	s1 =	sadd.s32 s1, s30  }
0xbc: {  	s0 =	sor.u32 s3, s0;
	s1 =	sshll.u32 s1, $0x11  }
0xbd: {  	s0 =	sor.u32 s1, s0  }
0xbe: {  	s0 =	sadd.s32 $0x8F2B, s0  }
0xbf: {  	[sflag:s0] =	ssyncadd.remote.s32 $0x1  }
0xc0: {  	_ =	sfence.sel $0xFFFF  }
0xc1: {  	[dreg:$0x0] =	wrdreg $0xFFFFFFFF;
	(pc) =	sbr.abs _section_cstart, $3  }
0xc2: {  	[dreg:$0x1] =	wrdreg $0xFFFFFFFF  }
0xc3: {  	_ =	task.clear_ibuf [dreg:s7], $0x2FFFF;
	_ =	strace $0x9FFFFFFF  }
0xc4: {  	(tm) =	ssettm $0x7FFFFFFF  }
0xc5: {  	_ =	shalt  }
tec
execute0_lowered:
.L_overlay_start_1:
0x0: {  	(tag) =	ssettag $0x1  }
0x1: {  	s1 =	rddreg [dreg:$0x0]  }
0x2: {  	s0 =	rddreg [dreg:$0x1]  }
0x3: {  	s2 =	srdreg.scid;
	s3 =	rddreg [dreg:$0x2]  }
0x4: {  	s10 =	stileid.u32;
	s4 =	rddreg [dreg:$0x3]  }
0x5: {  	s28 =	simm.s32 $0xF;
	s29 =	simm.s32 $0xD;
	s30 =	simm.s32 $0xE  }
0x6: {  	s31 =	simm.s32 $0x50;
	s2 =	sand.u32 $0x1, s2;
	s7 =	smul.u32 $0x280, s10  }
0x7: {  	s5 =	sshll.u32 s10, $0x1;
	s9 =	sadd.s32 $0x1600, s0;
	s15 =	smul.u32 $0x14000, s10  }
0x8: {  	s20 =	sadd.s32 $0x15800, s0;
	s21 =	sadd.s32 $0x15600, s0;
	s8 =	smul.u32 $0x2800, s2  }
0x9: {  	s6 =	sor.u32 s2, s5;
	s22 =	ssub.s32 $0x2, s2;
	s2 =	smul.u32 $0x140000, s2  }
0xa: {  	s16 =	sadd.s32 $0x15A00, s0;
	s5 =	simm.s32 $0x0;
	s6 =	smul.u32 $0x4E2, s6  }
0xb: {  	[smem:$0x7FF] =	sst s5;
	s23 =	sshrl.u32 s22, $0x1;
	s17 =	sadd.s32 $0x4000, s15  }
0xc: {  	s24 =	sshrl.u32 s15, $0x1;
	_ =	strace $0x80000047;
	[dreg:$0x5] =	wrdreg s9  }
0xd: {  	s18 =	sadd.s32 $0x8000, s15;
	s19 =	sadd.s32 $0xC000, s15;
	[dreg:$0x6] =	wrdreg s20  }
0xe: {  	s14 =	sadd.s32 s7, s4;
	[dreg:$0x7] =	wrdreg s21;
	s8 =	sadd.s32 s7, s8  }
0xf: {  	s25 =	sshrl.u32 s17, $0x1;
	s9 =	sadd.s32 s24, s3;
	s11 =	sshrl.u32 s18, $0x1  }
0x10: {  	s20 =	sadd.s32 $0x10000, s15;
	s12 =	sshrl.u32 s19, $0x1;
	s15 =	sadd.s32 s15, s2  }
0x11: {  	s17 =	sadd.s32 s2, s17;
	s24 =	sadd.s32 s2, s18;
	s7 =	simm.s32 $0x5  }
0x12: {  	s6 =	sadd.s32 s6, s0;
	s8 =	sshrl.u32 s8, $0x3;
	s10 =	sadd.s32 s25, s3  }
0x13: {  	s11 =	sadd.s32 s11, s3;
	s13 =	sshrl.u32 s20, $0x1;
	s12 =	sadd.s32 s12, s3  }
0x14: {  	s21 =	sshrl.u32 s15, $0x4;
	s25 =	sadd.s32 s2, s19;
	s2 =	sadd.s32 s2, s20  }
0x15: {  	s15 =	simm.s32 $0xBE70;
	s0 =	sadd.s32 s8, s0;
	s8 =	ssub.s32 s22, s23  }
0x16: {  	s13 =	sadd.s32 s13, s3;
	s26 =	sadd.s32 $0xB800, s6;
	s6 =	sadd.s32 $0x1A00, s6  }
0x17: {  	s22 =	sshrl.u32 s17, $0x4;
	s2 =	sshrl.u32 s2, $0x4;
	[dreg:$0x8] =	wrdreg s26  }
0x18: {  	[dreg:$0x9] =	wrdreg s6;
	s6 =	sadd.s32 s16, s21;
	s23 =	sadd.s32 s16, s22  }
0x19: {  	s26 =	sshrl.u32 s25, $0x4;
	s2 =	sadd.s32 s16, s2;
	s22 =	sadd.s32 $0x3DA00, s0  }
0x1a: {  	s25 =	simm.s32 $0xDE70;
	s0 =	simm.s32 $0x8;
	[dreg:$0xa] =	wrdreg s6  }
.Ltmp0:
0x1b: {  	[dreg:$0xb] =	wrdreg s23;
	s6 =	sshrl.u32 s24, $0x4;
	(pc) =	sbr.rel .LBB2_1-.Ltmp0, $4  }
0x1c: {  	[dreg:$0xe] =	wrdreg s2;
	s23 =	smax.u32 s8, $0x1;
	s24 =	simm.s32 $0x9E70  }
0x1d: {  	s2 =	simm.s32 $0x3;
	s8 =	simm.s32 $0x9;
	s6 =	sadd.s32 s16, s6  }
0x1e: {  	[dreg:$0xc] =	wrdreg s6;
	s6 =	sadd.s32 s16, s26;
	s26 =	simm.s32 $0x2  }
0x1f: {  	s16 =	simm.s32 $0x0;
	[dreg:$0xd] =	wrdreg s6;
	s6 =	simm.s32 $0xC  }
.LBB2_6:
0x20: {  	_ =	swait.ge [sflag:s26], $0x1400  }
0x21: {  	[sflag:s26] =	ssyncset.done $0x0  }
0x22: {  	[sflag:s26] =	ssyncadd.s32 $0xFFFFEC00  }
0x23: {  	_ =	swait.ge [sflag:s2], $0x1400  }
0x24: {  	[sflag:s2] =	ssyncset.done $0x0  }
0x25: {  	[sflag:s2] =	ssyncadd.s32 $0xFFFFEC00  }
0x26: {  	_ =	swait.ge [sflag:s0], $0x1400  }
0x27: {  	[sflag:s0] =	ssyncset.done $0x0  }
0x28: {  	[sflag:s0] =	ssyncadd.s32 $0xFFFFEC00  }
0x29: {  	_ =	swait.ge [sflag:s6], $0x50  }
0x2a: {  	[sflag:s6] =	ssyncset.done $0x0  }
0x2b: {  	[sflag:s6] =	ssyncadd.s32 $0xFFFFFFB0  }
0x2c: {  	_ =	swait.ge [sflag:s7], $0x1400  }
0x2d: {  	[sflag:s7] =	ssyncset.done $0x0  }
0x2e: {  	[sflag:s7] =	ssyncadd.s32 $0xFFFFEC00  }
0x2f: {  	_ =	swait.ge [sflag:s8], $0x50  }
0x30: {  	[sflag:s8] =	ssyncset.done $0x0  }
0x31: {  	[sflag:s8] =	ssyncadd.s32 $0xFFFFFFB0  }
0x32: {  	[bflag:$0x0] =	sbarrier.arrive $0xFFFF  }
0x33: {  	[tilespmem:s24], [sflag:$0xF] =	stream.linear.gather [spmem:s9], $0x2000, $0x38;
	[tilespmem:$0x18370] =	vst v63  }
0x34: {  	_ =	swait.ge [sflag:s28], $0x2000  }
0x35: {  	[sflag:s28] =	ssyncset.done $0x0  }
0x36: {  	s17 =	rddreg [dreg:$0xa];
	[sflag:s28] =	ssyncadd.s32 $0xFFFFE000  }
0x37: {  	[hbm4b:s17+s5] =	stream.linear.scatter [tilespmem:s24], [sflag:$0xD], $0x2000, $0x38;
	[tilespmem:$0x18370] =	vst v63  }
0x38: {  	_ = 	snop  }
0x39: {  	[tilespmem:s15], [sflag:$0xF] =	stream.linear.gather [spmem:s10], $0x2000, $0x38;
	[tilespmem:$0x18370] =	vst v63  }
0x3a: {  	_ =	swait.ge [sflag:s28], $0x2000  }
0x3b: {  	[sflag:s28] =	ssyncset.done $0x0  }
0x3c: {  	s18 =	rddreg [dreg:$0xb];
	[sflag:s28] =	ssyncadd.s32 $0xFFFFE000  }
0x3d: {  	[hbm4b:s18+s5] =	stream.linear.scatter [tilespmem:s15], [sflag:$0xE], $0x2000, $0x38;
	[tilespmem:$0x18370] =	vst v63  }
0x3e: {  	_ =	swait.ge [sflag:s29], $0x2000  }
0x3f: {  	[sflag:s29] =	ssyncset.done $0x0  }
0x40: {  	[sflag:s29] =	ssyncadd.s32 $0xFFFFE000  }
0x41: {  	[tilespmem:s24], [sflag:$0xF] =	stream.linear.gather [spmem:s11], $0x2000, $0x38;
	[tilespmem:$0x18370] =	vst v63  }
0x42: {  	_ =	swait.ge [sflag:s28], $0x2000  }
0x43: {  	[sflag:s28] =	ssyncset.done $0x0  }
0x44: {  	s19 =	rddreg [dreg:$0xc];
	[sflag:s28] =	ssyncadd.s32 $0xFFFFE000  }
0x45: {  	[hbm4b:s19+s5] =	stream.linear.scatter [tilespmem:s24], [sflag:$0xD], $0x2000, $0x38;
	[tilespmem:$0x18370] =	vst v63  }
0x46: {  	_ =	swait.ge [sflag:s30], $0x2000  }
0x47: {  	[sflag:s30] =	ssyncset.done $0x0  }
0x48: {  	[sflag:s30] =	ssyncadd.s32 $0xFFFFE000  }
0x49: {  	[tilespmem:s15], [sflag:$0xF] =	stream.linear.gather [spmem:s12], $0x2000, $0x38;
	[tilespmem:$0x18370] =	vst v63  }
0x4a: {  	_ =	swait.ge [sflag:s28], $0x2000  }
0x4b: {  	[sflag:s28] =	ssyncset.done $0x0  }
0x4c: {  	s20 =	rddreg [dreg:$0xd];
	[sflag:s28] =	ssyncadd.s32 $0xFFFFE000  }
0x4d: {  	[hbm4b:s20+s5] =	stream.linear.scatter [tilespmem:s15], [sflag:$0xE], $0x2000, $0x38;
	[tilespmem:$0x18370] =	vst v63  }
0x4e: {  	_ =	swait.ge [sflag:s29], $0x2000  }
0x4f: {  	[sflag:s29] =	ssyncset.done $0x0  }
0x50: {  	[sflag:s29] =	ssyncadd.s32 $0xFFFFE000  }
0x51: {  	[tilespmem:s24], [sflag:$0xF] =	stream.linear.gather [spmem:s13], $0x2000, $0x38;
	[tilespmem:$0x18370] =	vst v63  }
0x52: {  	_ =	swait.ge [sflag:s28], $0x2000  }
0x53: {  	[sflag:s28] =	ssyncset.done $0x0  }
0x54: {  	s21 =	rddreg [dreg:$0xe];
	[sflag:s28] =	ssyncadd.s32 $0xFFFFE000  }
0x55: {  	[hbm4b:s21+s5] =	stream.linear.scatter [tilespmem:s24], [sflag:$0xD], $0x2000, $0x38;
	[tilespmem:$0x18370] =	vst v63  }
0x56: {  	_ = 	snop  }
0x57: {  	[tilespmem:s25], [sflag:$0xF] =	stream.linear.gather [spmem:s14], $0x280, $0x38;
	[tilespmem:$0x18370] =	vst v63  }
0x58: {  	_ =	swait.ge [sflag:s28], $0x280  }
0x59: {  	[sflag:s28] =	ssyncset.done $0x0  }
0x5a: {  	[sflag:s28] =	ssyncadd.s32 $0xFFFFFD80  }
0x5b: {  	[hbm4b:s22+s5] =	stream.linear.scatter [tilespmem:s25], [sflag:$0xF], $0x280, $0x38;
	[tilespmem:$0x18370] =	vst v63  }
0x5c: {  	_ =	swait.ge [sflag:s28], $0x280  }
0x5d: {  	[sflag:s28] =	ssyncset.done $0x0  }
0x5e: {  	s16 =	sadd.s32 $0x1, s16;
	[sflag:s28] =	ssyncadd.s32 $0xFFFFFD80  }
0x5f: {  	p0 =	sne.s32 s16, s23;
	_ =	swait.ge [sflag:s30], $0x2000  }
.Ltmp1:
0x60: {  	[sflag:s30] =	ssyncset.done $0x0;
	(pc) =	sbr.rel @!p0 .LBB2_7-.Ltmp1, $4  }
0x61: {  	[sflag:s30] =	ssyncadd.s32 $0xFFFFE000  }
0x62: {  	_ =	swait.ge [sflag:s29], $0x2000  }
0x63: {  	[sflag:s29] =	ssyncset.done $0x0  }
0x64: {  	[sflag:s29] =	ssyncadd.s32 $0xFFFFE000  }
.LBB2_1:
0x65: {  	s17 =	rddreg [dreg:$0x5]  }
0x66: {  	[tilespmem:s24], [sflag:$0xD] =	stream.linear.gather [hbm4b:s17+s5], $0x2000, $0x38;
	[tilespmem:$0x18370] =	vst v63  }
0x67: {  	s20 =	rddreg [dreg:$0x6]  }
0x68: {  	[tilespmem:s25], [sflag:$0xE] =	stream.linear.gather [hbm4b:s20+s5], $0x280, $0x38;
	[tilespmem:$0x18370] =	vst v63  }
0x69: {  	s21 =	rddreg [dreg:$0x7];
	s18 =	simm.s32 $0x9E20  }
0x6a: {  	[tilespmem:s18], [sflag:$0xF] =	stream.linear.gather [hbm4b:s21+s5], $0x50, $0x38;
	[tilespmem:$0x18370] =	vst v63  }
0x6b: {  	_ =	swait.ge [sflag:s28], $0x50  }
0x6c: {  	[sflag:s28] =	ssyncset.done $0x0  }
0x6d: {  	[sflag:s28] =	ssyncadd.s32 $0xFFFFFFB0  }
0x6e: {  	_ =	swait.ge [sflag:s29], $0x2000  }
0x6f: {  	[sflag:s29] =	ssyncset.done $0x0  }
0x70: {  	[sflag:s29] =	ssyncadd.s32 $0xFFFFE000  }
0x71: {  	_ =	swait.ge [sflag:s30], $0x280  }
0x72: {  	[sflag:s30] =	ssyncset.done $0x0  }
0x73: {  	[sflag:s30] =	ssyncadd.s32 $0xFFFFFD80  }
0x74: {  	[spmem:s9] =	stream.linear.scatter [tilespmem:s24], [sflag:$0xF], $0x2000, $0x38;
	[tilespmem:$0x18370] =	vst v63  }
0x75: {  	_ =	swait.ge [sflag:s28], $0x2000  }
0x76: {  	[sflag:s28] =	ssyncset.done $0x0  }
0x77: {  	[sflag:s28] =	ssyncadd.s32 $0xFFFFE000  }
0x78: {  	[spmem:s10] =	stream.linear.scatter [tilespmem:s24], [sflag:$0xF], $0x2000, $0x38;
	[tilespmem:$0x18370] =	vst v63  }
0x79: {  	_ =	swait.ge [sflag:s28], $0x2000  }
0x7a: {  	[sflag:s28] =	ssyncset.done $0x0  }
0x7b: {  	[sflag:s28] =	ssyncadd.s32 $0xFFFFE000  }
0x7c: {  	[spmem:s11] =	stream.linear.scatter [tilespmem:s24], [sflag:$0xF], $0x2000, $0x38;
	[tilespmem:$0x18370] =	vst v63  }
0x7d: {  	_ =	swait.ge [sflag:s28], $0x2000  }
0x7e: {  	[sflag:s28] =	ssyncset.done $0x0  }
0x7f: {  	[sflag:s28] =	ssyncadd.s32 $0xFFFFE000  }
0x80: {  	[spmem:s12] =	stream.linear.scatter [tilespmem:s24], [sflag:$0xF], $0x2000, $0x38;
	[tilespmem:$0x18370] =	vst v63  }
0x81: {  	_ =	swait.ge [sflag:s28], $0x2000  }
0x82: {  	[sflag:s28] =	ssyncset.done $0x0  }
0x83: {  	[sflag:s28] =	ssyncadd.s32 $0xFFFFE000  }
0x84: {  	[spmem:s13] =	stream.linear.scatter [tilespmem:s24], [sflag:$0xF], $0x2000, $0x38;
	[tilespmem:$0x18370] =	vst v63  }
0x85: {  	_ =	swait.ge [sflag:s28], $0x2000  }
0x86: {  	[sflag:s28] =	ssyncset.done $0x0  }
0x87: {  	[sflag:s28] =	ssyncadd.s32 $0xFFFFE000  }
0x88: {  	[spmem:s14] =	stream.linear.scatter [tilespmem:s25], [sflag:$0xF], $0x280, $0x38;
	[tilespmem:$0x18370] =	vst v63  }
0x89: {  	_ =	swait.ge [sflag:s28], $0x280  }
0x8a: {  	[sflag:s28] =	ssyncset.done $0x0  }
0x8b: {  	s18 =	rddreg [dreg:$0x8];
	[sflag:s28] =	ssyncadd.s32 $0xFFFFFD80  }
0x8c: {  	[tilespmem:s5], [sflag:$0xF] =	stream.linear.gather [hbm4b:s18+s5], $0x2710, $0x38;
	[tilespmem:$0x18370] =	vst v63  }
0x8d: {  	_ =	swait.ge [sflag:s28], $0x2710  }
0x8e: {  	[sflag:s28] =	ssyncset.done $0x0  }
0x8f: {  	s17 =	simm.s32 $0x2710;
	s19 =	rddreg [dreg:$0x9];
	[sflag:s28] =	ssyncadd.s32 $0xFFFFD8F0  }
0x90: {  	[tilespmem:s17], [sflag:$0xF] =	stream.linear.gather [hbm4b:s19+s5], $0x2710, $0x38;
	[tilespmem:$0x18370] =	vst v63  }
0x91: {  	_ =	swait.ge [sflag:s28], $0x2710  }
0x92: {  	[sflag:s28] =	ssyncset.done $0x0  }
.Ltmp2:
0x93: {  	[sflag:s28] =	ssyncadd.s32 $0xFFFFD8F0;
	(pc) =	sbr.rel .LBB2_2-.Ltmp2, $4  }
0x94: {  	s20 =	simm.s32 $0x4E20;
	[bflag:$0x0] =	sbarrier.arrive $0xFFFF  }
0x95: {  	[tilespmem:s20], [sflag:$0x1] =	stream.indirect.gather [hbm4b:s1+s31], $0x40, s5, s31, $0xb8;
	[tilespmem:$0x18370] =	vst v63  }
0x96: {  	s21 =	simm.s32 $0x6220;
	s18 =	simm.s32 $0x0  }
0x97: {  	[tilespmem:s21], [sflag:$0x2] =	stream.indirect.gather [hbm4b:s1+s31], $0x40, s31, s31, $0xb8;
	[tilespmem:$0x18370] =	vst v63  }
.LBB2_4:
0x98: {  	p0 =	seq.s32 s19, $0x2  }
0x99: {  	s19 =	simm.s32 @p0 $0x3  }
0x9a: {  	_ =	swait.ge @p0 [sflag:s19], $0x1400  }
0x9b: {  	s20 =	simm.s32 @p0 $0x7620;
	[sflag:s19] =	ssyncset.done @p0 $0x0  }
0x9c: {  	p1 =	slt.u32 @p0 s18, $0x2;
	[sflag:s19] =	ssyncadd.s32 @p0 $0xFFFFEC00;
	s19 =	simm.s32 @p0 $0x50  }
0x9d: {  	[spmem:s3] =	stream.indirect.scatter.add.bf16 @p0 [tilespmem:s20], [sflag:$0x7], $0x40, s17, s19, $0xb8;
	[tilespmem:$0x18370] =	vst v63  }
0x9e: {  	p1 =	por p1, !p0;
	s20 =	simm.s32 @p0 $0x9E20  }
0x9f: {  	[spmem:s4] =	stream.indirect.scatter.add.f32 @p0 [tilespmem:s20], [sflag:$0xB], $0x1, s17, s19, $0xb8;
	[tilespmem:$0x18370] =	vst v63  }
0xa0: {  	s20 =	simm.s32 @!p1 $0x5  }
0xa1: {  	_ =	swait.ge @!p1 [sflag:s20], $0x1400  }
0xa2: {  	s21 =	smin.u32 @p0 s18, $0x7A;
	[sflag:s20] =	ssyncset.done @!p1 $0x0  }
0xa3: {  	s21 =	smul.u32 @p0 $0x140, s21;
	[sflag:s20] =	ssyncadd.s32 @!p1 $0xFFFFEC00;
	s20 =	simm.s32 @!p1 $0x9  }
0xa4: {  	_ =	swait.ge @!p1 [sflag:s20], $0x50  }
0xa5: {  	s21 =	sshrl.u32 @p0 s21, $0x2;
	[sflag:s20] =	ssyncset.done @!p1 $0x0  }
0xa6: {  	[sflag:s20] =	ssyncadd.s32 @!p1 $0xFFFFFFB0;
	s20 =	sadd.s32 @p0 $0xA0, s21;
	s21 =	simm.s32 @p0 $0x4E20  }
0xa7: {  	[tilespmem:s21], [sflag:$0x1] =	stream.indirect.gather @p0 [hbm4b:s1+s19], $0x40, s20, s19, $0xb8;
	[tilespmem:$0x18370] =	vst v63  }
0xa8: {  	s19 =	simm.s32 @!p0 $0x4  }
0xa9: {  	_ =	swait.ge @!p0 [sflag:s19], $0x1400  }
0xaa: {  	p1 =	slt.u32 @!p0 s18, $0x2;
	[sflag:s19] =	ssyncset.done @!p0 $0x0  }
0xab: {  	s20 =	simm.s32 @!p0 $0x8A20;
	[sflag:s19] =	ssyncadd.s32 @!p0 $0xFFFFEC00;
	s19 =	simm.s32 @!p0 $0x50  }
0xac: {  	[spmem:s3] =	stream.indirect.scatter.add.bf16 @!p0 [tilespmem:s20], [sflag:$0x8], $0x40, s17, s19, $0xb8;
	[tilespmem:$0x18370] =	vst v63  }
0xad: {  	p1 =	por p1, p0;
	s20 =	simm.s32 @!p0 $0x9E20  }
0xae: {  	[spmem:s4] =	stream.indirect.scatter.add.f32 @!p0 [tilespmem:s20], [sflag:$0xC], $0x1, s17, s19, $0xb8;
	[tilespmem:$0x18370] =	vst v63  }
0xaf: {  	s20 =	simm.s32 @!p1 $0x6  }
0xb0: {  	_ =	swait.ge @!p1 [sflag:s20], $0x1400  }
0xb1: {  	s21 =	smin.u32 @!p0 s18, $0x7A;
	[sflag:s20] =	ssyncset.done @!p1 $0x0  }
0xb2: {  	s21 =	smul.u32 @!p0 $0x140, s21;
	[sflag:s20] =	ssyncadd.s32 @!p1 $0xFFFFEC00;
	s20 =	simm.s32 @!p1 $0xA  }
0xb3: {  	_ =	swait.ge @!p1 [sflag:s20], $0x50  }
0xb4: {  	s21 =	sshrl.u32 @!p0 s21, $0x2;
	[sflag:s20] =	ssyncset.done @!p1 $0x0  }
0xb5: {  	[sflag:s20] =	ssyncadd.s32 @!p1 $0xFFFFFFB0;
	s20 =	sadd.s32 @!p0 $0xA0, s21;
	s21 =	simm.s32 @!p0 $0x6220  }
0xb6: {  	[tilespmem:s21], [sflag:$0x2] =	stream.indirect.gather @!p0 [hbm4b:s1+s19], $0x40, s20, s19, $0xb8;
	[tilespmem:$0x18370] =	vst v63  }
.LBB2_5:
0xb7: {  	s18 =	sadd.s32 $0x1, s18  }
0xb8: {  	p0 =	sne.s32 s18, $0x7D  }
.Ltmp3:
0xb9: {  	_ = 	snop;
	(pc) =	sbr.rel @!p0 .LBB2_6-.Ltmp3, $2  }
0xba: {  	_ =	sdelay $0x2  }
0xbb: {  	s17 =	sadd.s32 $0x50, s17  }
.LBB2_2:
0xbc: {  	s19 =	sand.u32 $0x3, s18  }
0xbd: {  	p0 =	sgt.s32 s19, $0x1  }
.Ltmp4:
0xbe: {  	_ = 	snop;
	(pc) =	sbr.rel @p0 .LBB2_4-.Ltmp4, $1  }
0xbf: {  	_ =	sdelay $0x3  }
0xc0: {  	p0 =	seq.s32 s19, $0x0  }
0xc1: {  	s19 =	simm.s32 @p0 $0x1  }
0xc2: {  	_ =	swait.ge @p0 [sflag:s19], $0x1400  }
0xc3: {  	s20 =	simm.s32 @p0 $0x4E20;
	[sflag:s19] =	ssyncset.done @p0 $0x0  }
0xc4: {  	p1 =	slt.u32 @p0 s18, $0x2;
	[sflag:s19] =	ssyncadd.s32 @p0 $0xFFFFEC00;
	s19 =	simm.s32 @p0 $0x50  }
0xc5: {  	[spmem:s3] =	stream.indirect.scatter.add.bf16 @p0 [tilespmem:s20], [sflag:$0x5], $0x40, s17, s19, $0xb8;
	[tilespmem:$0x18370] =	vst v63  }
0xc6: {  	p1 =	por p1, !p0;
	s20 =	simm.s32 @p0 $0x9E20  }
0xc7: {  	[spmem:s4] =	stream.indirect.scatter.add.f32 @p0 [tilespmem:s20], [sflag:$0x9], $0x1, s17, s19, $0xb8;
	[tilespmem:$0x18370] =	vst v63  }
0xc8: {  	s20 =	simm.s32 @!p1 $0x7  }
0xc9: {  	_ =	swait.ge @!p1 [sflag:s20], $0x1400  }
0xca: {  	s21 =	smin.u32 @p0 s18, $0x7A;
	[sflag:s20] =	ssyncset.done @!p1 $0x0  }
0xcb: {  	s21 =	smul.u32 @p0 $0x140, s21;
	[sflag:s20] =	ssyncadd.s32 @!p1 $0xFFFFEC00;
	s20 =	simm.s32 @!p1 $0xB  }
0xcc: {  	_ =	swait.ge @!p1 [sflag:s20], $0x50  }
0xcd: {  	s21 =	sshrl.u32 @p0 s21, $0x2;
	[sflag:s20] =	ssyncset.done @!p1 $0x0  }
0xce: {  	[sflag:s20] =	ssyncadd.s32 @!p1 $0xFFFFFFB0;
	s20 =	sadd.s32 @p0 $0xA0, s21;
	s21 =	simm.s32 @p0 $0x7620  }
0xcf: {  	[tilespmem:s21], [sflag:$0x3] =	stream.indirect.gather @p0 [hbm4b:s1+s19], $0x40, s20, s19, $0xb8;
	[tilespmem:$0x18370] =	vst v63  }
0xd0: {  	s19 =	simm.s32 @!p0 $0x2  }
0xd1: {  	_ =	swait.ge @!p0 [sflag:s19], $0x1400  }
0xd2: {  	p1 =	slt.u32 @!p0 s18, $0x2;
	[sflag:s19] =	ssyncset.done @!p0 $0x0  }
0xd3: {  	s20 =	simm.s32 @!p0 $0x6220;
	[sflag:s19] =	ssyncadd.s32 @!p0 $0xFFFFEC00;
	s19 =	simm.s32 @!p0 $0x50  }
0xd4: {  	[spmem:s3] =	stream.indirect.scatter.add.bf16 @!p0 [tilespmem:s20], [sflag:$0x6], $0x40, s17, s19, $0xb8;
	[tilespmem:$0x18370] =	vst v63  }
0xd5: {  	p1 =	por p1, p0;
	s20 =	simm.s32 @!p0 $0x9E20  }
0xd6: {  	[spmem:s4] =	stream.indirect.scatter.add.f32 @!p0 [tilespmem:s20], [sflag:$0xA], $0x1, s17, s19, $0xb8;
	[tilespmem:$0x18370] =	vst v63  }
0xd7: {  	s20 =	simm.s32 @!p1 $0x8  }
0xd8: {  	s21 =	smin.u32 @!p0 s18, $0x7A;
	_ =	swait.ge @!p1 [sflag:s20], $0x1400  }
0xd9: {  	s21 =	smul.u32 @!p0 $0x140, s21;
	[sflag:s20] =	ssyncset.done @!p1 $0x0  }
.Ltmp5:
0xda: {  	[sflag:s20] =	ssyncadd.s32 @!p1 $0xFFFFEC00;
	s20 =	simm.s32 @!p1 $0xC;
	(pc) =	sbr.rel .LBB2_5-.Ltmp5, $4  }
0xdb: {  	_ =	swait.ge @!p1 [sflag:s20], $0x50  }
0xdc: {  	s21 =	sshrl.u32 @!p0 s21, $0x2;
	[sflag:s20] =	ssyncset.done @!p1 $0x0  }
0xdd: {  	[sflag:s20] =	ssyncadd.s32 @!p1 $0xFFFFFFB0;
	s20 =	sadd.s32 @!p0 $0xA0, s21;
	s21 =	simm.s32 @!p0 $0x8A20  }
0xde: {  	[tilespmem:s21], [sflag:$0x4] =	stream.indirect.gather @!p0 [hbm4b:s1+s19], $0x40, s20, s19, $0xb8;
	[tilespmem:$0x18370] =	vst v63  }
.LBB2_7:
0xdf: {  	_ =	sfence.sel $0x180000  }
0xe0: {  	[bflag:$0x0] =	sbarrier.arrive $0xFFFF  }
0xe1: {  	_ =	strace $0x90000047  }
0xe2: {  	s0 =	stileid.u32;
	[bflag:$0x2] =	sbarrier.arrive $0xFFFF  }
0xe3: {  	p0 =	sne.s32 s0, $0x0;
	s0 =	rddreg [dreg:$0x4]  }
0xe4: {  	s0 =	sadd.s32 @!p0 $0x100000, s0  }
0xe5: {  	[sflag:s0] =	ssyncadd.tile.s32 @!p0 $0x1;
	_ =	shalt  }
.Lfunc_end2:
_tile_overlayer_lowered:
.L_overlay_start_2:
0xe6: {  	(tag) =	ssettag $0x2  }
0xe7: {  	s0 =	rddreg [dreg:$0x0];
	s2 =	stileid.u32  }
0xe8: {  	s1 =	rddreg [dreg:$0x1];
	p0 =	sne.s32 s2, $0x0  }
0xe9: {  	s3 =	rddreg [dreg:$0x2];
	[bflag:$0x3] =	sbarrier.arrive $0xFFFF;
	s2 =	simm.s32 @!p0 $0x1C0F  }
0xea: {  	[timem:s3], [sflag:s2] =	dma.local @!p0 [hbm:s0], s1  }
0xeb: {  	s0 =	simm.s32 @!p0 $0xF  }
0xec: {  	_ =	swait.ge @!p0 [sflag:s0], s1  }
0xed: {  	s1 =	ssub.s32 @!p0 $0x0, s1;
	[sflag:s0] =	ssyncset.done @!p0 $0x0  }
0xee: {  	[sflag:s0] =	ssyncadd.s32 @!p0 s1  }
0xef: {  	[bflag:$0x3] =	sbarrier.arrive $0xFFFF  }
0xf0: {  	_ =	shalt  }

</sc_bundles>
